<compile_context>
chip_gen: v7x
topology: tpu7x:2x2x1
jax: 0.10.2.dev20260603
libtpu: 0.0.44.dev20260713+nightly
codegen_flags: <defaults>
</compile_context>

<pallas_src>
import functools

import jax
import jax.numpy as jnp
from jax.experimental import pallas as pl

_EPS = 1e-12
_FOLD = 8


def _fold_kernel(x_ref, out_ref, *, Q, H, f):
    xb = x_ref[0]
    for t in range(f):
        pieces = [xb[:, H * r + Q * t: H * r + Q * t + Q] for r in range(Q)]
        out_ref[t] = jnp.concatenate(pieces, axis=1)


def _tile_kernel(xt_ref, wf_ref, bf_ref, wv_ref, bv_ref, pool_ref, pooled_ref,
                 stats_ref, *, M, N, P, Q):
    xp = xt_ref[0]
    xf = jnp.dot(wf_ref[...], xp, preferred_element_type=jnp.float32) + bf_ref[...]
    val = jnp.dot(wv_ref[...], xp, preferred_element_type=jnp.float32) + bv_ref[...]
    pmat = pool_ref[...]
    centers = jnp.dot(xf, pmat, preferred_element_type=jnp.float32)
    cn = centers / jnp.maximum(
        jnp.sqrt(jnp.sum(centers * centers, axis=0, keepdims=True)), _EPS)
    simt = jax.lax.dot_general(xf, cn, (((0,), (0,)), ((), ())),
                               preferred_element_type=jnp.float32)
    maxv = jnp.max(simt, axis=1, keepdims=True)
    mi = jax.lax.broadcasted_iota(jnp.int32, (N, M), 1)
    first = jnp.min(jnp.where(simt >= maxv, mi, M), axis=1, keepdims=True)
    onehot = (mi == first).astype(jnp.float32)
    counts = jnp.dot(jnp.ones((1, N), jnp.float32), onehot,
                     preferred_element_type=jnp.float32)
    scat = jnp.dot(val, onehot + pmat, preferred_element_type=jnp.float32)
    out_t = scat / (counts + 1.0)
    pooled_ref[0] = out_t
    s = jnp.sum(out_t)
    sq = jnp.sum(out_t * out_t)
    i8 = jax.lax.broadcasted_iota(jnp.int32, (1, 8), 1)
    stats_ref[0] = jnp.where(i8 == 0, s, jnp.where(i8 == 1, sq, 0.0))


def _phase_kernel(x_ref, perm_ref, ee_ref, eo_ref, oe_ref, oo_ref, *, RB):
    xr = x_ref[0]
    Cin, _, Wp = xr.shape
    Hh = Wp // 2
    xr2 = xr.reshape(Cin * RB, Wp)
    xp = jnp.dot(xr2, perm_ref[...], preferred_element_type=jnp.float32)
    xp = xp.reshape(Cin, RB, Wp)
    xp4 = xp.reshape(Cin, RB // 2, 2, Wp)
    ev = xp4[:, :, 0, :]
    od = xp4[:, :, 1, :]
    ee_ref[0] = ev[:, :, :Hh]
    eo_ref[0] = ev[:, :, Hh:2 * Hh]
    oe_ref[0] = od[:, :, :Hh]
    oo_ref[0] = od[:, :, Hh:2 * Hh]


def _conv_kernel(ee_ref, eo_ref, oe_ref, oo_ref, eeh_ref, eoh_ref, w_ref,
                 b_ref, out_ref, *, RB, Wo):
    Cout = w_ref.shape[2]
    mains = {(0, 0): ee_ref, (0, 1): eo_ref, (1, 0): oe_ref, (1, 1): oo_ref}
    halos = {(0, 0): eeh_ref, (0, 1): eoh_ref}
    acc = None
    for dy in range(3):
        py = dy % 2
        for dx in range(3):
            px = dx % 2
            co = 1 if dx == 2 else 0
            m = mains[(py, px)][0]
            if dy == 2:
                h = halos[(py, px)][0]
                xs = jnp.concatenate([m[:, 1:RB, :], h[:, 0:1, :]], axis=1)
            else:
                xs = m
            xs = xs[:, :, co:co + Wo].reshape(m.shape[0], RB * Wo)
            t = jnp.dot(w_ref[dy, dx], xs, preferred_element_type=jnp.float32)
            acc = t if acc is None else acc + t
    out = acc + b_ref[...]
    out_ref[0] = out.reshape(Cout, RB, Wo)


def _final_kernel(pooled_ref, id_ref, stats_ref, gw_ref, gb_ref, out_ref, *, count):
    s = jnp.sum(stats_ref[0, :, 0])
    sq = jnp.sum(stats_ref[0, :, 1])
    mu = s / count
    var = sq / count - mu * mu
    inv = jax.lax.rsqrt(var + 1e-5)
    g = gw_ref[...].reshape(-1, 1, 1)
    bb = gb_ref[...].reshape(-1, 1, 1)
    out_ref[0] = (pooled_ref[0] - mu) * inv * g + bb + id_ref[0]


def kernel(x, Wf, bf, Wv, bv, Ws, bs, gw, gb):
    B0, Cin, H, W = x.shape
    Cout = Wf.shape[0]
    f = _FOLD
    Q = H // f
    P = Q // 2
    M = P * P
    N = Q * Q
    T = B0 * f * f
    Ho = H // 2
    Hp = Ho + 1

    xv = x.reshape(B0, Cin, f * Q * H)
    xt = pl.pallas_call(
        functools.partial(_fold_kernel, Q=Q, H=H, f=f),
        grid=(B0, f),
        in_specs=[pl.BlockSpec((1, Cin, Q * H), lambda b, r: (b, 0, r))],
        out_specs=pl.BlockSpec((f, Cin, N), lambda b, r: (b * f + r, 0, 0)),
        out_shape=jax.ShapeDtypeStruct((T, Cin, N), jnp.float32),
    )(xv)
    wf2 = Wf.reshape(Cout, Cin)
    wv2 = Wv.reshape(Cout, Cin)
    nidx = jnp.arange(N, dtype=jnp.int32)
    mtarget = (nidx // Q // 2) * P + (nidx % Q) // 2
    pmat = (jax.nn.one_hot(mtarget, M, dtype=jnp.float32) * 0.25)
    pooled, stats = pl.pallas_call(
        functools.partial(_tile_kernel, M=M, N=N, P=P, Q=Q),
        grid=(T,),
        in_specs=[
            pl.BlockSpec((1, Cin, N), lambda t: (t, 0, 0)),
            pl.BlockSpec((Cout, Cin), lambda t: (0, 0)),
            pl.BlockSpec((Cout, 1), lambda t: (0, 0)),
            pl.BlockSpec((Cout, Cin), lambda t: (0, 0)),
            pl.BlockSpec((Cout, 1), lambda t: (0, 0)),
            pl.BlockSpec((N, M), lambda t: (0, 0)),
        ],
        out_specs=[
            pl.BlockSpec((1, Cout, M), lambda t: (t, 0, 0)),
            pl.BlockSpec((1, 1, 8), lambda t: (t, 0, 0)),
        ],
        out_shape=[
            jax.ShapeDtypeStruct((T, Cout, M), jnp.float32),
            jax.ShapeDtypeStruct((T, 1, 8), jnp.float32),
        ],
    )(xt, wf2, bf.reshape(Cout, 1), wv2, bv.reshape(Cout, 1), pmat)

    RB = 16
    nblk = Ho // RB
    Wp = H + 2
    Hh = Wp // 2
    Hpad = H + 16
    xpad = jnp.pad(x, ((0, 0), (0, 0), (1, Hpad - H - 1), (1, 1)))
    cols = jnp.arange(Wp)
    src = jnp.where(cols < Hh, 2 * cols, 2 * (cols - Hh) + 1)
    pperm = jax.nn.one_hot(src, Wp, dtype=jnp.float32).T
    Rp = Hpad // 2
    ee, eo, oe, oo = pl.pallas_call(
        functools.partial(_phase_kernel, RB=16),
        grid=(B0, Hpad // 16),
        in_specs=[
            pl.BlockSpec((1, Cin, 16, Wp), lambda b, r: (b, 0, r, 0)),
            pl.BlockSpec((Wp, Wp), lambda b, r: (0, 0)),
        ],
        out_specs=[pl.BlockSpec((1, Cin, 8, Hh), lambda b, r: (b, 0, r, 0))] * 4,
        out_shape=[jax.ShapeDtypeStruct((B0, Cin, Rp, Hh), jnp.float32)] * 4,
    )(xpad, pperm)

    ws2 = Ws.transpose(2, 3, 0, 1)
    identity = pl.pallas_call(
        functools.partial(_conv_kernel, RB=RB, Wo=Ho),
        grid=(B0, nblk),
        in_specs=[
            pl.BlockSpec((1, Cin, RB, Hh), lambda b, r: (b, 0, r, 0)),
            pl.BlockSpec((1, Cin, RB, Hh), lambda b, r: (b, 0, r, 0)),
            pl.BlockSpec((1, Cin, RB, Hh), lambda b, r: (b, 0, r, 0)),
            pl.BlockSpec((1, Cin, RB, Hh), lambda b, r: (b, 0, r, 0)),
            pl.BlockSpec((1, Cin, 8, Hh), lambda b, r: (b, 0, 2 * r + 2, 0)),
            pl.BlockSpec((1, Cin, 8, Hh), lambda b, r: (b, 0, 2 * r + 2, 0)),
            pl.BlockSpec((3, 3, Cout, Cin), lambda b, r: (0, 0, 0, 0)),
            pl.BlockSpec((Cout, 1), lambda b, r: (0, 0)),
        ],
        out_specs=pl.BlockSpec((1, Cout, RB, Ho), lambda b, r: (b, 0, r, 0)),
        out_shape=jax.ShapeDtypeStruct((B0, Cout, Ho, Ho), jnp.float32),
    )(ee, eo, oe, oo, ee, eo, ws2, bs.reshape(Cout, 1))

    pooled_full = pooled.reshape(B0, f, f, Cout, P, P).transpose(0, 3, 1, 4, 2, 5)
    pooled_full = pooled_full.reshape(B0, Cout, Ho, Ho)
    stats2 = stats.reshape(B0, f * f, 8)
    cnt = float(Cout * Ho * Ho)
    RB2 = 16
    out = pl.pallas_call(
        functools.partial(_final_kernel, count=cnt),
        grid=(B0, Ho // RB2),
        in_specs=[
            pl.BlockSpec((1, Cout, RB2, Ho), lambda b, r: (b, 0, r, 0)),
            pl.BlockSpec((1, Cout, RB2, Ho), lambda b, r: (b, 0, r, 0)),
            pl.BlockSpec((1, f * f, 8), lambda b, r: (b, 0, 0)),
            pl.BlockSpec((Cout, 1), lambda b, r: (0, 0)),
            pl.BlockSpec((Cout, 1), lambda b, r: (0, 0)),
        ],
        out_specs=pl.BlockSpec((1, Cout, RB2, Ho), lambda b, r: (b, 0, r, 0)),
        out_shape=jax.ShapeDtypeStruct((B0, Cout, Ho, Ho), jnp.float32),
    )(pooled_full, identity, stats2, gw.reshape(Cout, 1), gb.reshape(Cout, 1))
    return out

# --- scband reference (transcript-rebuilt; emitter-appended) ---
"""Pipeline reference for scband-cluster-pool-51342039056603 (READ-ONLY COPY).

The authoritative reference and input builder live on the scoring server;
editing this copy changes nothing except your own understanding.
"""

import jax, jax.numpy as jnp
import numpy as np

STRIDE = 2
FOLD = 8
IN_CH = 192
EMB = 384

def _conv(x, W, b, stride, pad):
    y = jax.lax.conv_general_dilated(x, W, (stride, stride), [(pad, pad), (pad, pad)],
                                     dimension_numbers=('NCHW', 'OIHW', 'NCHW'))
    return y + b[None, :, None, None]

def _normalize(x, eps=1e-12):
    n = jnp.linalg.norm(x, axis=-1, keepdims=True)
    return x / jnp.maximum(n, eps)

def _avgpool2(x):
    b, c, w, h = x.shape
    return x.reshape(b, c, w // 2, 2, h // 2, 2).mean(axis=(3, 5))

def setup_inputs(seed: int = 0) -> dict:
    key = jax.random.key(seed)
    ks = jax.random.split(key, 9)
    x = jax.random.normal(ks[0], (2, IN_CH, 224, 224), dtype=jnp.float32)
    Wf = jax.random.normal(ks[1], (EMB, IN_CH, 1, 1), dtype=jnp.float32) * 0.05
    bf = jax.random.normal(ks[2], (EMB,), dtype=jnp.float32) * 0.01
    Wv = jax.random.normal(ks[3], (EMB, IN_CH, 1, 1), dtype=jnp.float32) * 0.05
    bv = jax.random.normal(ks[4], (EMB,), dtype=jnp.float32) * 0.01
    Ws = jax.random.normal(ks[5], (EMB, IN_CH, 3, 3), dtype=jnp.float32) * 0.02
    bs = jax.random.normal(ks[6], (EMB,), dtype=jnp.float32) * 0.01
    gw = jnp.ones((EMB,), dtype=jnp.float32)
    gb = jnp.zeros((EMB,), dtype=jnp.float32)
    return {"x": x, "Wf": Wf, "bf": bf, "Wv": Wv, "bv": bv, "Ws": Ws, "bs": bs, "gw": gw, "gb": gb}

def reference(x, Wf, bf, Wv, bv, Ws, bs, gw, gb):
    identity = _conv(x, Ws, bs, 2, 1)
    value = _conv(x, Wv, bv, 1, 0)
    xf = _conv(x, Wf, bf, 1, 0)
    b0, c0, w0, h0 = xf.shape
    f = FOLD
    def fold_fn(t):
        return t.reshape(b0, c0, f, w0 // f, f, h0 // f).transpose(0, 2, 4, 1, 3, 5).reshape(b0 * f * f, c0, w0 // f, h0 // f)
    xf = fold_fn(xf)
    value = fold_fn(value)
    b, c, w, h = xf.shape
    centers = _avgpool2(xf)
    vc = _avgpool2(value)
    ww, hh = centers.shape[2], centers.shape[3]
    M = ww * hh
    N = w * h
    centers_f = centers.reshape(b, c, M).transpose(0, 2, 1)
    x_f = xf.reshape(b, c, N).transpose(0, 2, 1)
    sim = jnp.matmul(_normalize(centers_f), _normalize(x_f).transpose(0, 2, 1))  # [b, M, N]
    idx = jnp.argmax(sim, axis=1)  # [b, N]
    mask = jax.nn.one_hot(idx, M, dtype=sim.dtype).transpose(0, 2, 1)  # [b, M, N]
    counts = mask.sum(axis=-1, keepdims=True)  # [b, M, 1]
    value_centers = vc.reshape(b, c, M).transpose(0, 2, 1)  # [b, M, c]
    value2 = value.reshape(b, c, N).transpose(0, 2, 1).reshape(b * N, c)
    flat_idx = idx.reshape(-1) + jnp.repeat(jnp.arange(b, dtype=idx.dtype) * M, N)
    out = jnp.zeros((b * M, c), dtype=value2.dtype).at[flat_idx].add(value2)
    out = out.reshape(b, M, c)
    out = (out + value_centers) / (counts + 1.0)
    out = out.transpose(0, 2, 1).reshape(b, c, ww, hh)
    out = out.reshape(b0, f, f, c, ww, hh).transpose(0, 3, 1, 4, 2, 5).reshape(b0, c, f * ww, f * hh)
    mu = out.mean(axis=(1, 2, 3), keepdims=True)
    var = out.var(axis=(1, 2, 3), keepdims=True)
    out = (out - mu) / jnp.sqrt(var + 1e-5) * gw[None, :, None, None] + gb[None, :, None, None]
    return identity + out

if __name__ == "__main__":
    import jax
    _d = setup_inputs()
    print(jax.jit(kernel)(*tuple(_d.values())))

</pallas_src>

<mosaic_0001>
module attributes {stable_mosaic.version = 14 : i64} {
  func.func @_fold_kernel(%arg0: i32, %arg1: i32, %arg2: memref<1x192x6272xf32, #tpu.memory_space<vmem>>, %arg3: memref<8x192x784xf32, #tpu.memory_space<vmem>>) attributes {dimension_semantics = [#tpu.dimension_semantics<arbitrary>, #tpu.dimension_semantics<arbitrary>], iteration_bounds = array<i64: 2, 8>, scalar_prefetch = 0 : i64, scratch_operands = 0 : i64, tpu.core_type = #tpu.core_type<tc>, window_params = [{transform_indices = @transform_0, window_bounds = array<i64: 1, 192, 6272>}, {transform_indices = @transform_1, window_bounds = array<i64: 8, 192, 784>}]} {
    %get3A = arith.constant 0 : index
    %get3A_0 = arith.constant 0 : index
    %get3A_1 = arith.constant 0 : index
    %get3A_2 = vector.load %arg2[%get3A, %get3A_0, %get3A_1] : memref<1x192x6272xf32, #tpu.memory_space<vmem>>, vector<1x192x6272xf32>
    %get3A_3 = vector.shape_cast %get3A_2 : vector<1x192x6272xf32> to vector<192x6272xf32>
    %slice3A = vector.extract_strided_slice %get3A_3 {offsets = [0, 0], sizes = [192, 28], strides = [1, 1]} : vector<192x6272xf32> to vector<192x28xf32>
    %slice3A_4 = vector.extract_strided_slice %get3A_3 {offsets = [0, 224], sizes = [192, 28], strides = [1, 1]} : vector<192x6272xf32> to vector<192x28xf32>
    %slice3A_5 = vector.extract_strided_slice %get3A_3 {offsets = [0, 448], sizes = [192, 28], strides = [1, 1]} : vector<192x6272xf32> to vector<192x28xf32>
    %slice3A_6 = vector.extract_strided_slice %get3A_3 {offsets = [0, 672], sizes = [192, 28], strides = [1, 1]} : vector<192x6272xf32> to vector<192x28xf32>
    %slice3A_7 = vector.extract_strided_slice %get3A_3 {offsets = [0, 896], sizes = [192, 28], strides = [1, 1]} : vector<192x6272xf32> to vector<192x28xf32>
    %slice3A_8 = vector.extract_strided_slice %get3A_3 {offsets = [0, 1120], sizes = [192, 28], strides = [1, 1]} : vector<192x6272xf32> to vector<192x28xf32>
    %slice3A_9 = vector.extract_strided_slice %get3A_3 {offsets = [0, 1344], sizes = [192, 28], strides = [1, 1]} : vector<192x6272xf32> to vector<192x28xf32>
    %slice3A_10 = vector.extract_strided_slice %get3A_3 {offsets = [0, 1568], sizes = [192, 28], strides = [1, 1]} : vector<192x6272xf32> to vector<192x28xf32>
    %slice3A_11 = vector.extract_strided_slice %get3A_3 {offsets = [0, 1792], sizes = [192, 28], strides = [1, 1]} : vector<192x6272xf32> to vector<192x28xf32>
    %slice3A_12 = vector.extract_strided_slice %get3A_3 {offsets = [0, 2016], sizes = [192, 28], strides = [1, 1]} : vector<192x6272xf32> to vector<192x28xf32>
    %slice3A_13 = vector.extract_strided_slice %get3A_3 {offsets = [0, 2240], sizes = [192, 28], strides = [1, 1]} : vector<192x6272xf32> to vector<192x28xf32>
    %slice3A_14 = vector.extract_strided_slice %get3A_3 {offsets = [0, 2464], sizes = [192, 28], strides = [1, 1]} : vector<192x6272xf32> to vector<192x28xf32>
    %slice3A_15 = vector.extract_strided_slice %get3A_3 {offsets = [0, 2688], sizes = [192, 28], strides = [1, 1]} : vector<192x6272xf32> to vector<192x28xf32>
    %slice3A_16 = vector.extract_strided_slice %get3A_3 {offsets = [0, 2912], sizes = [192, 28], strides = [1, 1]} : vector<192x6272xf32> to vector<192x28xf32>
    %slice3A_17 = vector.extract_strided_slice %get3A_3 {offsets = [0, 3136], sizes = [192, 28], strides = [1, 1]} : vector<192x6272xf32> to vector<192x28xf32>
    %slice3A_18 = vector.extract_strided_slice %get3A_3 {offsets = [0, 3360], sizes = [192, 28], strides = [1, 1]} : vector<192x6272xf32> to vector<192x28xf32>
    %slice3A_19 = vector.extract_strided_slice %get3A_3 {offsets = [0, 3584], sizes = [192, 28], strides = [1, 1]} : vector<192x6272xf32> to vector<192x28xf32>
    %slice3A_20 = vector.extract_strided_slice %get3A_3 {offsets = [0, 3808], sizes = [192, 28], strides = [1, 1]} : vector<192x6272xf32> to vector<192x28xf32>
    %slice3A_21 = vector.extract_strided_slice %get3A_3 {offsets = [0, 4032], sizes = [192, 28], strides = [1, 1]} : vector<192x6272xf32> to vector<192x28xf32>
    %slice3A_22 = vector.extract_strided_slice %get3A_3 {offsets = [0, 4256], sizes = [192, 28], strides = [1, 1]} : vector<192x6272xf32> to vector<192x28xf32>
    %slice3A_23 = vector.extract_strided_slice %get3A_3 {offsets = [0, 4480], sizes = [192, 28], strides = [1, 1]} : vector<192x6272xf32> to vector<192x28xf32>
    %slice3A_24 = vector.extract_strided_slice %get3A_3 {offsets = [0, 4704], sizes = [192, 28], strides = [1, 1]} : vector<192x6272xf32> to vector<192x28xf32>
    %slice3A_25 = vector.extract_strided_slice %get3A_3 {offsets = [0, 4928], sizes = [192, 28], strides = [1, 1]} : vector<192x6272xf32> to vector<192x28xf32>
    %slice3A_26 = vector.extract_strided_slice %get3A_3 {offsets = [0, 5152], sizes = [192, 28], strides = [1, 1]} : vector<192x6272xf32> to vector<192x28xf32>
    %slice3A_27 = vector.extract_strided_slice %get3A_3 {offsets = [0, 5376], sizes = [192, 28], strides = [1, 1]} : vector<192x6272xf32> to vector<192x28xf32>
    %slice3A_28 = vector.extract_strided_slice %get3A_3 {offsets = [0, 5600], sizes = [192, 28], strides = [1, 1]} : vector<192x6272xf32> to vector<192x28xf32>
    %slice3A_29 = vector.extract_strided_slice %get3A_3 {offsets = [0, 5824], sizes = [192, 28], strides = [1, 1]} : vector<192x6272xf32> to vector<192x28xf32>
    %slice3A_30 = vector.extract_strided_slice %get3A_3 {offsets = [0, 6048], sizes = [192, 28], strides = [1, 1]} : vector<192x6272xf32> to vector<192x28xf32>
    %concatenate3A = tpu.concatenate %slice3A, %slice3A_4, %slice3A_5, %slice3A_6, %slice3A_7, %slice3A_8, %slice3A_9, %slice3A_10, %slice3A_11, %slice3A_12, %slice3A_13, %slice3A_14, %slice3A_15, %slice3A_16, %slice3A_17, %slice3A_18, %slice3A_19, %slice3A_20, %slice3A_21, %slice3A_22, %slice3A_23, %slice3A_24, %slice3A_25, %slice3A_26, %slice3A_27, %slice3A_28, %slice3A_29, %slice3A_30 in 1 : vector<192x28xf32>, vector<192x28xf32>, vector<192x28xf32>, vector<192x28xf32>, vector<192x28xf32>, vector<192x28xf32>, vector<192x28xf32>, vector<192x28xf32>, vector<192x28xf32>, vector<192x28xf32>, vector<192x28xf32>, vector<192x28xf32>, vector<192x28xf32>, vector<192x28xf32>, vector<192x28xf32>, vector<192x28xf32>, vector<192x28xf32>, vector<192x28xf32>, vector<192x28xf32>, vector<192x28xf32>, vector<192x28xf32>, vector<192x28xf32>, vector<192x28xf32>, vector<192x28xf32>, vector<192x28xf32>, vector<192x28xf32>, vector<192x28xf32>, vector<192x28xf32> -> vector<192x784xf32>
    %swap3A = arith.constant 0 : index
    %swap3A_31 = arith.constant 0 : index
    %swap3A_32 = arith.constant 0 : index
    %swap3A_33 = vector.load %arg3[%swap3A, %swap3A_31, %swap3A_32] : memref<8x192x784xf32, #tpu.memory_space<vmem>>, vector<1x192x784xf32>
    %swap3A_34 = vector.shape_cast %swap3A_33 : vector<1x192x784xf32> to vector<192x784xf32>
    %swap3A_35 = vector.shape_cast %concatenate3A : vector<192x784xf32> to vector<1x192x784xf32>
    tpu.vector_store %arg3[%swap3A, %swap3A_31, %swap3A_32], %swap3A_35 {strides = array<i32>} : memref<8x192x784xf32, #tpu.memory_space<vmem>>, vector<1x192x784xf32>,
    %slice3A_36 = vector.extract_strided_slice %get3A_3 {offsets = [0, 28], sizes = [192, 28], strides = [1, 1]} : vector<192x6272xf32> to vector<192x28xf32>
    %slice3A_37 = vector.extract_strided_slice %get3A_3 {offsets = [0, 252], sizes = [192, 28], strides = [1, 1]} : vector<192x6272xf32> to vector<192x28xf32>
    %slice3A_38 = vector.extract_strided_slice %get3A_3 {offsets = [0, 476], sizes = [192, 28], strides = [1, 1]} : vector<192x6272xf32> to vector<192x28xf32>
    %slice3A_39 = vector.extract_strided_slice %get3A_3 {offsets = [0, 700], sizes = [192, 28], strides = [1, 1]} : vector<192x6272xf32> to vector<192x28xf32>
    %slice3A_40 = vector.extract_strided_slice %get3A_3 {offsets = [0, 924], sizes = [192, 28], strides = [1, 1]} : vector<192x6272xf32> to vector<192x28xf32>
    %slice3A_41 = vector.extract_strided_slice %get3A_3 {offsets = [0, 1148], sizes = [192, 28], strides = [1, 1]} : vector<192x6272xf32> to vector<192x28xf32>
    %slice3A_42 = vector.extract_strided_slice %get3A_3 {offsets = [0, 1372], sizes = [192, 28], strides = [1, 1]} : vector<192x6272xf32> to vector<192x28xf32>
    %slice3A_43 = vector.extract_strided_slice %get3A_3 {offsets = [0, 1596], sizes = [192, 28], strides = [1, 1]} : vector<192x6272xf32> to vector<192x28xf32>
    %slice3A_44 = vector.extract_strided_slice %get3A_3 {offsets = [0, 1820], sizes = [192, 28], strides = [1, 1]} : vector<192x6272xf32> to vector<192x28xf32>
    %slice3A_45 = vector.extract_strided_slice %get3A_3 {offsets = [0, 2044], sizes = [192, 28], strides = [1, 1]} : vector<192x6272xf32> to vector<192x28xf32>
    %slice3A_46 = vector.extract_strided_slice %get3A_3 {offsets = [0, 2268], sizes = [192, 28], strides = [1, 1]} : vector<192x6272xf32> to vector<192x28xf32>
    %slice3A_47 = vector.extract_strided_slice %get3A_3 {offsets = [0, 2492], sizes = [192, 28], strides = [1, 1]} : vector<192x6272xf32> to vector<192x28xf32>
    %slice3A_48 = vector.extract_strided_slice %get3A_3 {offsets = [0, 2716], sizes = [192, 28], strides = [1, 1]} : vector<192x6272xf32> to vector<192x28xf32>
    %slice3A_49 = vector.extract_strided_slice %get3A_3 {offsets = [0, 2940], sizes = [192, 28], strides = [1, 1]} : vector<192x6272xf32> to vector<192x28xf32>
    %slice3A_50 = vector.extract_strided_slice %get3A_3 {offsets = [0, 3164], sizes = [192, 28], strides = [1, 1]} : vector<192x6272xf32> to vector<192x28xf32>
    %slice3A_51 = vector.extract_strided_slice %get3A_3 {offsets = [0, 3388], sizes = [192, 28], strides = [1, 1]} : vector<192x6272xf32> to vector<192x28xf32>
    %slice3A_52 = vector.extract_strided_slice %get3A_3 {offsets = [0, 3612], sizes = [192, 28], strides = [1, 1]} : vector<192x6272xf32> to vector<192x28xf32>
    %slice3A_53 = vector.extract_strided_slice %get3A_3 {offsets = [0, 3836], sizes = [192, 28], strides = [1, 1]} : vector<192x6272xf32> to vector<192x28xf32>
    %slice3A_54 = vector.extract_strided_slice %get3A_3 {offsets = [0, 4060], sizes = [192, 28], strides = [1, 1]} : vector<192x6272xf32> to vector<192x28xf32>
    %slice3A_55 = vector.extract_strided_slice %get3A_3 {offsets = [0, 4284], sizes = [192, 28], strides = [1, 1]} : vector<192x6272xf32> to vector<192x28xf32>
    %slice3A_56 = vector.extract_strided_slice %get3A_3 {offsets = [0, 4508], sizes = [192, 28], strides = [1, 1]} : vector<192x6272xf32> to vector<192x28xf32>
    %slice3A_57 = vector.extract_strided_slice %get3A_3 {offsets = [0, 4732], sizes = [192, 28], strides = [1, 1]} : vector<192x6272xf32> to vector<192x28xf32>
    %slice3A_58 = vector.extract_strided_slice %get3A_3 {offsets = [0, 4956], sizes = [192, 28], strides = [1, 1]} : vector<192x6272xf32> to vector<192x28xf32>
    %slice3A_59 = vector.extract_strided_slice %get3A_3 {offsets = [0, 5180], sizes = [192, 28], strides = [1, 1]} : vector<192x6272xf32> to vector<192x28xf32>
    %slice3A_60 = vector.extract_strided_slice %get3A_3 {offsets = [0, 5404], sizes = [192, 28], strides = [1, 1]} : vector<192x6272xf32> to vector<192x28xf32>
    %slice3A_61 = vector.extract_strided_slice %get3A_3 {offsets = [0, 5628], sizes = [192, 28], strides = [1, 1]} : vector<192x6272xf32> to vector<192x28xf32>
    %slice3A_62 = vector.extract_strided_slice %get3A_3 {offsets = [0, 5852], sizes = [192, 28], strides = [1, 1]} : vector<192x6272xf32> to vector<192x28xf32>
    %slice3A_63 = vector.extract_strided_slice %get3A_3 {offsets = [0, 6076], sizes = [192, 28], strides = [1, 1]} : vector<192x6272xf32> to vector<192x28xf32>
    %concatenate3A_64 = tpu.concatenate %slice3A_36, %slice3A_37, %slice3A_38, %slice3A_39, %slice3A_40, %slice3A_41, %slice3A_42, %slice3A_43, %slice3A_44, %slice3A_45, %slice3A_46, %slice3A_47, %slice3A_48, %slice3A_49, %slice3A_50, %slice3A_51, %slice3A_52, %slice3A_53, %slice3A_54, %slice3A_55, %slice3A_56, %slice3A_57, %slice3A_58, %slice3A_59, %slice3A_60, %slice3A_61, %slice3A_62, %slice3A_63 in 1 : vector<192x28xf32>, vector<192x28xf32>, vector<192x28xf32>, vector<192x28xf32>, vector<192x28xf32>, vector<192x28xf32>, vector<192x28xf32>, vector<192x28xf32>, vector<192x28xf32>, vector<192x28xf32>, vector<192x28xf32>, vector<192x28xf32>, vector<192x28xf32>, vector<192x28xf32>, vector<192x28xf32>, vector<192x28xf32>, vector<192x28xf32>, vector<192x28xf32>, vector<192x28xf32>, vector<192x28xf32>, vector<192x28xf32>, vector<192x28xf32>, vector<192x28xf32>, vector<192x28xf32>, vector<192x28xf32>, vector<192x28xf32>, vector<192x28xf32>, vector<192x28xf32> -> vector<192x784xf32>
    %swap3A_65 = arith.constant 1 : index
    %swap3A_66 = arith.constant 0 : index
    %swap3A_67 = arith.constant 0 : index
    %swap3A_68 = vector.load %arg3[%swap3A_65, %swap3A_66, %swap3A_67] : memref<8x192x784xf32, #tpu.memory_space<vmem>>, vector<1x192x784xf32>
    %swap3A_69 = vector.shape_cast %swap3A_68 : vector<1x192x784xf32> to vector<192x784xf32>
    %swap3A_70 = vector.shape_cast %concatenate3A_64 : vector<192x784xf32> to vector<1x192x784xf32>
    tpu.vector_store %arg3[%swap3A_65, %swap3A_66, %swap3A_67], %swap3A_70 {strides = array<i32>} : memref<8x192x784xf32, #tpu.memory_space<vmem>>, vector<1x192x784xf32>,
    %slice3A_71 = vector.extract_strided_slice %get3A_3 {offsets = [0, 56], sizes = [192, 28], strides = [1, 1]} : vector<192x6272xf32> to vector<192x28xf32>
    %slice3A_72 = vector.extract_strided_slice %get3A_3 {offsets = [0, 280], sizes = [192, 28], strides = [1, 1]} : vector<192x6272xf32> to vector<192x28xf32>
    %slice3A_73 = vector.extract_strided_slice %get3A_3 {offsets = [0, 504], sizes = [192, 28], strides = [1, 1]} : vector<192x6272xf32> to vector<192x28xf32>
    %slice3A_74 = vector.extract_strided_slice %get3A_3 {offsets = [0, 728], sizes = [192, 28], strides = [1, 1]} : vector<192x6272xf32> to vector<192x28xf32>
    %slice3A_75 = vector.extract_strided_slice %get3A_3 {offsets = [0, 952], sizes = [192, 28], strides = [1, 1]} : vector<192x6272xf32> to vector<192x28xf32>
    %slice3A_76 = vector.extract_strided_slice %get3A_3 {offsets = [0, 1176], sizes = [192, 28], strides = [1, 1]} : vector<192x6272xf32> to vector<192x28xf32>
    %slice3A_77 = vector.extract_strided_slice %get3A_3 {offsets = [0, 1400], sizes = [192, 28], strides = [1, 1]} : vector<192x6272xf32> to vector<192x28xf32>
    %slice3A_78 = vector.extract_strided_slice %get3A_3 {offsets = [0, 1624], sizes = [192, 28], strides = [1, 1]} : vector<192x6272xf32> to vector<192x28xf32>
    %slice3A_79 = vector.extract_strided_slice %get3A_3 {offsets = [0, 1848], sizes = [192, 28], strides = [1, 1]} : vector<192x6272xf32> to vector<192x28xf32>
    %slice3A_80 = vector.extract_strided_slice %get3A_3 {offsets = [0, 2072], sizes = [192, 28], strides = [1, 1]} : vector<192x6272xf32> to vector<192x28xf32>
    %slice3A_81 = vector.extract_strided_slice %get3A_3 {offsets = [0, 2296], sizes = [192, 28], strides = [1, 1]} : vector<192x6272xf32> to vector<192x28xf32>
    %slice3A_82 = vector.extract_strided_slice %get3A_3 {offsets = [0, 2520], sizes = [192, 28], strides = [1, 1]} : vector<192x6272xf32> to vector<192x28xf32>
    %slice3A_83 = vector.extract_strided_slice %get3A_3 {offsets = [0, 2744], sizes = [192, 28], strides = [1, 1]} : vector<192x6272xf32> to vector<192x28xf32>
    %slice3A_84 = vector.extract_strided_slice %get3A_3 {offsets = [0, 2968], sizes = [192, 28], strides = [1, 1]} : vector<192x6272xf32> to vector<192x28xf32>
    %slice3A_85 = vector.extract_strided_slice %get3A_3 {offsets = [0, 3192], sizes = [192, 28], strides = [1, 1]} : vector<192x6272xf32> to vector<192x28xf32>
    %slice3A_86 = vector.extract_strided_slice %get3A_3 {offsets = [0, 3416], sizes = [192, 28], strides = [1, 1]} : vector<192x6272xf32> to vector<192x28xf32>
    %slice3A_87 = vector.extract_strided_slice %get3A_3 {offsets = [0, 3640], sizes = [192, 28], strides = [1, 1]} : vector<192x6272xf32> to vector<192x28xf32>
    %slice3A_88 = vector.extract_strided_slice %get3A_3 {offsets = [0, 3864], sizes = [192, 28], strides = [1, 1]} : vector<192x6272xf32> to vector<192x28xf32>
    %slice3A_89 = vector.extract_strided_slice %get3A_3 {offsets = [0, 4088], sizes = [192, 28], strides = [1, 1]} : vector<192x6272xf32> to vector<192x28xf32>
    %slice3A_90 = vector.extract_strided_slice %get3A_3 {offsets = [0, 4312], sizes = [192, 28], strides = [1, 1]} : vector<192x6272xf32> to vector<192x28xf32>
    %slice3A_91 = vector.extract_strided_slice %get3A_3 {offsets = [0, 4536], sizes = [192, 28], strides = [1, 1]} : vector<192x6272xf32> to vector<192x28xf32>
    %slice3A_92 = vector.extract_strided_slice %get3A_3 {offsets = [0, 4760], sizes = [192, 28], strides = [1, 1]} : vector<192x6272xf32> to vector<192x28xf32>
    %slice3A_93 = vector.extract_strided_slice %get3A_3 {offsets = [0, 4984], sizes = [192, 28], strides = [1, 1]} : vector<192x6272xf32> to vector<192x28xf32>
    %slice3A_94 = vector.extract_strided_slice %get3A_3 {offsets = [0, 5208], sizes = [192, 28], strides = [1, 1]} : vector<192x6272xf32> to vector<192x28xf32>
    %slice3A_95 = vector.extract_strided_slice %get3A_3 {offsets = [0, 5432], sizes = [192, 28], strides = [1, 1]} : vector<192x6272xf32> to vector<192x28xf32>
    %slice3A_96 = vector.extract_strided_slice %get3A_3 {offsets = [0, 5656], sizes = [192, 28], strides = [1, 1]} : vector<192x6272xf32> to vector<192x28xf32>
    %slice3A_97 = vector.extract_strided_slice %get3A_3 {offsets = [0, 5880], sizes = [192, 28], strides = [1, 1]} : vector<192x6272xf32> to vector<192x28xf32>
    %slice3A_98 = vector.extract_strided_slice %get3A_3 {offsets = [0, 6104], sizes = [192, 28], strides = [1, 1]} : vector<192x6272xf32> to vector<192x28xf32>
    %concatenate3A_99 = tpu.concatenate %slice3A_71, %slice3A_72, %slice3A_73, %slice3A_74, %slice3A_75, %slice3A_76, %slice3A_77, %slice3A_78, %slice3A_79, %slice3A_80, %slice3A_81, %slice3A_82, %slice3A_83, %slice3A_84, %slice3A_85, %slice3A_86, %slice3A_87, %slice3A_88, %slice3A_89, %slice3A_90, %slice3A_91, %slice3A_92, %slice3A_93, %slice3A_94, %slice3A_95, %slice3A_96, %slice3A_97, %slice3A_98 in 1 : vector<192x28xf32>, vector<192x28xf32>, vector<192x28xf32>, vector<192x28xf32>, vector<192x28xf32>, vector<192x28xf32>, vector<192x28xf32>, vector<192x28xf32>, vector<192x28xf32>, vector<192x28xf32>, vector<192x28xf32>, vector<192x28xf32>, vector<192x28xf32>, vector<192x28xf32>, vector<192x28xf32>, vector<192x28xf32>, vector<192x28xf32>, vector<192x28xf32>, vector<192x28xf32>, vector<192x28xf32>, vector<192x28xf32>, vector<192x28xf32>, vector<192x28xf32>, vector<192x28xf32>, vector<192x28xf32>, vector<192x28xf32>, vector<192x28xf32>, vector<192x28xf32> -> vector<192x784xf32>
    %swap3A_100 = arith.constant 2 : index
    %swap3A_101 = arith.constant 0 : index
    %swap3A_102 = arith.constant 0 : index
    %swap3A_103 = vector.load %arg3[%swap3A_100, %swap3A_101, %swap3A_102] : memref<8x192x784xf32, #tpu.memory_space<vmem>>, vector<1x192x784xf32>
    %swap3A_104 = vector.shape_cast %swap3A_103 : vector<1x192x784xf32> to vector<192x784xf32>
    %swap3A_105 = vector.shape_cast %concatenate3A_99 : vector<192x784xf32> to vector<1x192x784xf32>
    tpu.vector_store %arg3[%swap3A_100, %swap3A_101, %swap3A_102], %swap3A_105 {strides = array<i32>} : memref<8x192x784xf32, #tpu.memory_space<vmem>>, vector<1x192x784xf32>,
    %slice3A_106 = vector.extract_strided_slice %get3A_3 {offsets = [0, 84], sizes = [192, 28], strides = [1, 1]} : vector<192x6272xf32> to vector<192x28xf32>
    %slice3A_107 = vector.extract_strided_slice %get3A_3 {offsets = [0, 308], sizes = [192, 28], strides = [1, 1]} : vector<192x6272xf32> to vector<192x28xf32>
    %slice3A_108 = vector.extract_strided_slice %get3A_3 {offsets = [0, 532], sizes = [192, 28], strides = [1, 1]} : vector<192x6272xf32> to vector<192x28xf32>
    %slice3A_109 = vector.extract_strided_slice %get3A_3 {offsets = [0, 756], sizes = [192, 28], strides = [1, 1]} : vector<192x6272xf32> to vector<192x28xf32>
    %slice3A_110 = vector.extract_strided_slice %get3A_3 {offsets = [0, 980], sizes = [192, 28], strides = [1, 1]} : vector<192x6272xf32> to vector<192x28xf32>
    %slice3A_111 = vector.extract_strided_slice %get3A_3 {offsets = [0, 1204], sizes = [192, 28], strides = [1, 1]} : vector<192x6272xf32> to vector<192x28xf32>
    %slice3A_112 = vector.extract_strided_slice %get3A_3 {offsets = [0, 1428], sizes = [192, 28], strides = [1, 1]} : vector<192x6272xf32> to vector<192x28xf32>
    %slice3A_113 = vector.extract_strided_slice %get3A_3 {offsets = [0, 1652], sizes = [192, 28], strides = [1, 1]} : vector<192x6272xf32> to vector<192x28xf32>
    %slice3A_114 = vector.extract_strided_slice %get3A_3 {offsets = [0, 1876], sizes = [192, 28], strides = [1, 1]} : vector<192x6272xf32> to vector<192x28xf32>
    %slice3A_115 = vector.extract_strided_slice %get3A_3 {offsets = [0, 2100], sizes = [192, 28], strides = [1, 1]} : vector<192x6272xf32> to vector<192x28xf32>
    %slice3A_116 = vector.extract_strided_slice %get3A_3 {offsets = [0, 2324], sizes = [192, 28], strides = [1, 1]} : vector<192x6272xf32> to vector<192x28xf32>
    %slice3A_117 = vector.extract_strided_slice %get3A_3 {offsets = [0, 2548], sizes = [192, 28], strides = [1, 1]} : vector<192x6272xf32> to vector<192x28xf32>
    %slice3A_118 = vector.extract_strided_slice %get3A_3 {offsets = [0, 2772], sizes = [192, 28], strides = [1, 1]} : vector<192x6272xf32> to vector<192x28xf32>
    %slice3A_119 = vector.extract_strided_slice %get3A_3 {offsets = [0, 2996], sizes = [192, 28], strides = [1, 1]} : vector<192x6272xf32> to vector<192x28xf32>
    %slice3A_120 = vector.extract_strided_slice %get3A_3 {offsets = [0, 3220], sizes = [192, 28], strides = [1, 1]} : vector<192x6272xf32> to vector<192x28xf32>
    %slice3A_121 = vector.extract_strided_slice %get3A_3 {offsets = [0, 3444], sizes = [192, 28], strides = [1, 1]} : vector<192x6272xf32> to vector<192x28xf32>
    %slice3A_122 = vector.extract_strided_slice %get3A_3 {offsets = [0, 3668], sizes = [192, 28], strides = [1, 1]} : vector<192x6272xf32> to vector<192x28xf32>
    %slice3A_123 = vector.extract_strided_slice %get3A_3 {offsets = [0, 3892], sizes = [192, 28], strides = [1, 1]} : vector<192x6272xf32> to vector<192x28xf32>
    %slice3A_124 = vector.extract_strided_slice %get3A_3 {offsets = [0, 4116], sizes = [192, 28], strides = [1, 1]} : vector<192x6272xf32> to vector<192x28xf32>
    %slice3A_125 = vector.extract_strided_slice %get3A_3 {offsets = [0, 4340], sizes = [192, 28], strides = [1, 1]} : vector<192x6272xf32> to vector<192x28xf32>
    %slice3A_126 = vector.extract_strided_slice %get3A_3 {offsets = [0, 4564], sizes = [192, 28], strides = [1, 1]} : vector<192x6272xf32> to vector<192x28xf32>
    %slice3A_127 = vector.extract_strided_slice %get3A_3 {offsets = [0, 4788], sizes = [192, 28], strides = [1, 1]} : vector<192x6272xf32> to vector<192x28xf32>
    %slice3A_128 = vector.extract_strided_slice %get3A_3 {offsets = [0, 5012], sizes = [192, 28], strides = [1, 1]} : vector<192x6272xf32> to vector<192x28xf32>
    %slice3A_129 = vector.extract_strided_slice %get3A_3 {offsets = [0, 5236], sizes = [192, 28], strides = [1, 1]} : vector<192x6272xf32> to vector<192x28xf32>
    %slice3A_130 = vector.extract_strided_slice %get3A_3 {offsets = [0, 5460], sizes = [192, 28], strides = [1, 1]} : vector<192x6272xf32> to vector<192x28xf32>
    %slice3A_131 = vector.extract_strided_slice %get3A_3 {offsets = [0, 5684], sizes = [192, 28], strides = [1, 1]} : vector<192x6272xf32> to vector<192x28xf32>
    %slice3A_132 = vector.extract_strided_slice %get3A_3 {offsets = [0, 5908], sizes = [192, 28], strides = [1, 1]} : vector<192x6272xf32> to vector<192x28xf32>
    %slice3A_133 = vector.extract_strided_slice %get3A_3 {offsets = [0, 6132], sizes = [192, 28], strides = [1, 1]} : vector<192x6272xf32> to vector<192x28xf32>
    %concatenate3A_134 = tpu.concatenate %slice3A_106, %slice3A_107, %slice3A_108, %slice3A_109, %slice3A_110, %slice3A_111, %slice3A_112, %slice3A_113, %slice3A_114, %slice3A_115, %slice3A_116, %slice3A_117, %slice3A_118, %slice3A_119, %slice3A_120, %slice3A_121, %slice3A_122, %slice3A_123, %slice3A_124, %slice3A_125, %slice3A_126, %slice3A_127, %slice3A_128, %slice3A_129, %slice3A_130, %slice3A_131, %slice3A_132, %slice3A_133 in 1 : vector<192x28xf32>, vector<192x28xf32>, vector<192x28xf32>, vector<192x28xf32>, vector<192x28xf32>, vector<192x28xf32>, vector<192x28xf32>, vector<192x28xf32>, vector<192x28xf32>, vector<192x28xf32>, vector<192x28xf32>, vector<192x28xf32>, vector<192x28xf32>, vector<192x28xf32>, vector<192x28xf32>, vector<192x28xf32>, vector<192x28xf32>, vector<192x28xf32>, vector<192x28xf32>, vector<192x28xf32>, vector<192x28xf32>, vector<192x28xf32>, vector<192x28xf32>, vector<192x28xf32>, vector<192x28xf32>, vector<192x28xf32>, vector<192x28xf32>, vector<192x28xf32> -> vector<192x784xf32>
    %swap3A_135 = arith.constant 3 : index
    %swap3A_136 = arith.constant 0 : index
    %swap3A_137 = arith.constant 0 : index
    %swap3A_138 = vector.load %arg3[%swap3A_135, %swap3A_136, %swap3A_137] : memref<8x192x784xf32, #tpu.memory_space<vmem>>, vector<1x192x784xf32>
    %swap3A_139 = vector.shape_cast %swap3A_138 : vector<1x192x784xf32> to vector<192x784xf32>
    %swap3A_140 = vector.shape_cast %concatenate3A_134 : vector<192x784xf32> to vector<1x192x784xf32>
    tpu.vector_store %arg3[%swap3A_135, %swap3A_136, %swap3A_137], %swap3A_140 {strides = array<i32>} : memref<8x192x784xf32, #tpu.memory_space<vmem>>, vector<1x192x784xf32>,
    %slice3A_141 = vector.extract_strided_slice %get3A_3 {offsets = [0, 112], sizes = [192, 28], strides = [1, 1]} : vector<192x6272xf32> to vector<192x28xf32>
    %slice3A_142 = vector.extract_strided_slice %get3A_3 {offsets = [0, 336], sizes = [192, 28], strides = [1, 1]} : vector<192x6272xf32> to vector<192x28xf32>
    %slice3A_143 = vector.extract_strided_slice %get3A_3 {offsets = [0, 560], sizes = [192, 28], strides = [1, 1]} : vector<192x6272xf32> to vector<192x28xf32>
    %slice3A_144 = vector.extract_strided_slice %get3A_3 {offsets = [0, 784], sizes = [192, 28], strides = [1, 1]} : vector<192x6272xf32> to vector<192x28xf32>
    %slice3A_145 = vector.extract_strided_slice %get3A_3 {offsets = [0, 1008], sizes = [192, 28], strides = [1, 1]} : vector<192x6272xf32> to vector<192x28xf32>
    %slice3A_146 = vector.extract_strided_slice %get3A_3 {offsets = [0, 1232], sizes = [192, 28], strides = [1, 1]} : vector<192x6272xf32> to vector<192x28xf32>
    %slice3A_147 = vector.extract_strided_slice %get3A_3 {offsets = [0, 1456], sizes = [192, 28], strides = [1, 1]} : vector<192x6272xf32> to vector<192x28xf32>
    %slice3A_148 = vector.extract_strided_slice %get3A_3 {offsets = [0, 1680], sizes = [192, 28], strides = [1, 1]} : vector<192x6272xf32> to vector<192x28xf32>
    %slice3A_149 = vector.extract_strided_slice %get3A_3 {offsets = [0, 1904], sizes = [192, 28], strides = [1, 1]} : vector<192x6272xf32> to vector<192x28xf32>
    %slice3A_150 = vector.extract_strided_slice %get3A_3 {offsets = [0, 2128], sizes = [192, 28], strides = [1, 1]} : vector<192x6272xf32> to vector<192x28xf32>
    %slice3A_151 = vector.extract_strided_slice %get3A_3 {offsets = [0, 2352], sizes = [192, 28], strides = [1, 1]} : vector<192x6272xf32> to vector<192x28xf32>
    %slice3A_152 = vector.extract_strided_slice %get3A_3 {offsets = [0, 2576], sizes = [192, 28], strides = [1, 1]} : vector<192x6272xf32> to vector<192x28xf32>
    %slice3A_153 = vector.extract_strided_slice %get3A_3 {offsets = [0, 2800], sizes = [192, 28], strides = [1, 1]} : vector<192x6272xf32> to vector<192x28xf32>
    %slice3A_154 = vector.extract_strided_slice %get3A_3 {offsets = [0, 3024], sizes = [192, 28], strides = [1, 1]} : vector<192x6272xf32> to vector<192x28xf32>
    %slice3A_155 = vector.extract_strided_slice %get3A_3 {offsets = [0, 3248], sizes = [192, 28], strides = [1, 1]} : vector<192x6272xf32> to vector<192x28xf32>
    %slice3A_156 = vector.extract_strided_slice %get3A_3 {offsets = [0, 3472], sizes = [192, 28], strides = [1, 1]} : vector<192x6272xf32> to vector<192x28xf32>
    %slice3A_157 = vector.extract_strided_slice %get3A_3 {offsets = [0, 3696], sizes = [192, 28], strides = [1, 1]} : vector<192x6272xf32> to vector<192x28xf32>
    %slice3A_158 = vector.extract_strided_slice %get3A_3 {offsets = [0, 3920], sizes = [192, 28], strides = [1, 1]} : vector<192x6272xf32> to vector<192x28xf32>
    %slice3A_159 = vector.extract_strided_slice %get3A_3 {offsets = [0, 4144], sizes = [192, 28], strides = [1, 1]} : vector<192x6272xf32> to vector<192x28xf32>
    %slice3A_160 = vector.extract_strided_slice %get3A_3 {offsets = [0, 4368], sizes = [192, 28], strides = [1, 1]} : vector<192x6272xf32> to vector<192x28xf32>
    %slice3A_161 = vector.extract_strided_slice %get3A_3 {offsets = [0, 4592], sizes = [192, 28], strides = [1, 1]} : vector<192x6272xf32> to vector<192x28xf32>
    %slice3A_162 = vector.extract_strided_slice %get3A_3 {offsets = [0, 4816], sizes = [192, 28], strides = [1, 1]} : vector<192x6272xf32> to vector<192x28xf32>
    %slice3A_163 = vector.extract_strided_slice %get3A_3 {offsets = [0, 5040], sizes = [192, 28], strides = [1, 1]} : vector<192x6272xf32> to vector<192x28xf32>
    %slice3A_164 = vector.extract_strided_slice %get3A_3 {offsets = [0, 5264], sizes = [192, 28], strides = [1, 1]} : vector<192x6272xf32> to vector<192x28xf32>
    %slice3A_165 = vector.extract_strided_slice %get3A_3 {offsets = [0, 5488], sizes = [192, 28], strides = [1, 1]} : vector<192x6272xf32> to vector<192x28xf32>
    %slice3A_166 = vector.extract_strided_slice %get3A_3 {offsets = [0, 5712], sizes = [192, 28], strides = [1, 1]} : vector<192x6272xf32> to vector<192x28xf32>
    %slice3A_167 = vector.extract_strided_slice %get3A_3 {offsets = [0, 5936], sizes = [192, 28], strides = [1, 1]} : vector<192x6272xf32> to vector<192x28xf32>
    %slice3A_168 = vector.extract_strided_slice %get3A_3 {offsets = [0, 6160], sizes = [192, 28], strides = [1, 1]} : vector<192x6272xf32> to vector<192x28xf32>
    %concatenate3A_169 = tpu.concatenate %slice3A_141, %slice3A_142, %slice3A_143, %slice3A_144, %slice3A_145, %slice3A_146, %slice3A_147, %slice3A_148, %slice3A_149, %slice3A_150, %slice3A_151, %slice3A_152, %slice3A_153, %slice3A_154, %slice3A_155, %slice3A_156, %slice3A_157, %slice3A_158, %slice3A_159, %slice3A_160, %slice3A_161, %slice3A_162, %slice3A_163, %slice3A_164, %slice3A_165, %slice3A_166, %slice3A_167, %slice3A_168 in 1 : vector<192x28xf32>, vector<192x28xf32>, vector<192x28xf32>, vector<192x28xf32>, vector<192x28xf32>, vector<192x28xf32>, vector<192x28xf32>, vector<192x28xf32>, vector<192x28xf32>, vector<192x28xf32>, vector<192x28xf32>, vector<192x28xf32>, vector<192x28xf32>, vector<192x28xf32>, vector<192x28xf32>, vector<192x28xf32>, vector<192x28xf32>, vector<192x28xf32>, vector<192x28xf32>, vector<192x28xf32>, vector<192x28xf32>, vector<192x28xf32>, vector<192x28xf32>, vector<192x28xf32>, vector<192x28xf32>, vector<192x28xf32>, vector<192x28xf32>, vector<192x28xf32> -> vector<192x784xf32>
    %swap3A_170 = arith.constant 4 : index
    %swap3A_171 = arith.constant 0 : index
    %swap3A_172 = arith.constant 0 : index
    %swap3A_173 = vector.load %arg3[%swap3A_170, %swap3A_171, %swap3A_172] : memref<8x192x784xf32, #tpu.memory_space<vmem>>, vector<1x192x784xf32>
    %swap3A_174 = vector.shape_cast %swap3A_173 : vector<1x192x784xf32> to vector<192x784xf32>
    %swap3A_175 = vector.shape_cast %concatenate3A_169 : vector<192x784xf32> to vector<1x192x784xf32>
    tpu.vector_store %arg3[%swap3A_170, %swap3A_171, %swap3A_172], %swap3A_175 {strides = array<i32>} : memref<8x192x784xf32, #tpu.memory_space<vmem>>, vector<1x192x784xf32>,
    %slice3A_176 = vector.extract_strided_slice %get3A_3 {offsets = [0, 140], sizes = [192, 28], strides = [1, 1]} : vector<192x6272xf32> to vector<192x28xf32>
    %slice3A_177 = vector.extract_strided_slice %get3A_3 {offsets = [0, 364], sizes = [192, 28], strides = [1, 1]} : vector<192x6272xf32> to vector<192x28xf32>
    %slice3A_178 = vector.extract_strided_slice %get3A_3 {offsets = [0, 588], sizes = [192, 28], strides = [1, 1]} : vector<192x6272xf32> to vector<192x28xf32>
    %slice3A_179 = vector.extract_strided_slice %get3A_3 {offsets = [0, 812], sizes = [192, 28], strides = [1, 1]} : vector<192x6272xf32> to vector<192x28xf32>
    %slice3A_180 = vector.extract_strided_slice %get3A_3 {offsets = [0, 1036], sizes = [192, 28], strides = [1, 1]} : vector<192x6272xf32> to vector<192x28xf32>
    %slice3A_181 = vector.extract_strided_slice %get3A_3 {offsets = [0, 1260], sizes = [192, 28], strides = [1, 1]} : vector<192x6272xf32> to vector<192x28xf32>
    %slice3A_182 = vector.extract_strided_slice %get3A_3 {offsets = [0, 1484], sizes = [192, 28], strides = [1, 1]} : vector<192x6272xf32> to vector<192x28xf32>
    %slice3A_183 = vector.extract_strided_slice %get3A_3 {offsets = [0, 1708], sizes = [192, 28], strides = [1, 1]} : vector<192x6272xf32> to vector<192x28xf32>
    %slice3A_184 = vector.extract_strided_slice %get3A_3 {offsets = [0, 1932], sizes = [192, 28], strides = [1, 1]} : vector<192x6272xf32> to vector<192x28xf32>
    %slice3A_185 = vector.extract_strided_slice %get3A_3 {offsets = [0, 2156], sizes = [192, 28], strides = [1, 1]} : vector<192x6272xf32> to vector<192x28xf32>
    %slice3A_186 = vector.extract_strided_slice %get3A_3 {offsets = [0, 2380], sizes = [192, 28], strides = [1, 1]} : vector<192x6272xf32> to vector<192x28xf32>
    %slice3A_187 = vector.extract_strided_slice %get3A_3 {offsets = [0, 2604], sizes = [192, 28], strides = [1, 1]} : vector<192x6272xf32> to vector<192x28xf32>
    %slice3A_188 = vector.extract_strided_slice %get3A_3 {offsets = [0, 2828], sizes = [192, 28], strides = [1, 1]} : vector<192x6272xf32> to vector<192x28xf32>
    %slice3A_189 = vector.extract_strided_slice %get3A_3 {offsets = [0, 3052], sizes = [192, 28], strides = [1, 1]} : vector<192x6272xf32> to vector<192x28xf32>
    %slice3A_190 = vector.extract_strided_slice %get3A_3 {offsets = [0, 3276], sizes = [192, 28], strides = [1, 1]} : vector<192x6272xf32> to vector<192x28xf32>
    %slice3A_191 = vector.extract_strided_slice %get3A_3 {offsets = [0, 3500], sizes = [192, 28], strides = [1, 1]} : vector<192x6272xf32> to vector<192x28xf32>
    %slice3A_192 = vector.extract_strided_slice %get3A_3 {offsets = [0, 3724], sizes = [192, 28], strides = [1, 1]} : vector<192x6272xf32> to vector<192x28xf32>
    %slice3A_193 = vector.extract_strided_slice %get3A_3 {offsets = [0, 3948], sizes = [192, 28], strides = [1, 1]} : vector<192x6272xf32> to vector<192x28xf32>
    %slice3A_194 = vector.extract_strided_slice %get3A_3 {offsets = [0, 4172], sizes = [192, 28], strides = [1, 1]} : vector<192x6272xf32> to vector<192x28xf32>
    %slice3A_195 = vector.extract_strided_slice %get3A_3 {offsets = [0, 4396], sizes = [192, 28], strides = [1, 1]} : vector<192x6272xf32> to vector<192x28xf32>
    %slice3A_196 = vector.extract_strided_slice %get3A_3 {offsets = [0, 4620], sizes = [192, 28], strides = [1, 1]} : vector<192x6272xf32> to vector<192x28xf32>
    %slice3A_197 = vector.extract_strided_slice %get3A_3 {offsets = [0, 4844], sizes = [192, 28], strides = [1, 1]} : vector<192x6272xf32> to vector<192x28xf32>
    %slice3A_198 = vector.extract_strided_slice %get3A_3 {offsets = [0, 5068], sizes = [192, 28], strides = [1, 1]} : vector<192x6272xf32> to vector<192x28xf32>
    %slice3A_199 = vector.extract_strided_slice %get3A_3 {offsets = [0, 5292], sizes = [192, 28], strides = [1, 1]} : vector<192x6272xf32> to vector<192x28xf32>
    %slice3A_200 = vector.extract_strided_slice %get3A_3 {offsets = [0, 5516], sizes = [192, 28], strides = [1, 1]} : vector<192x6272xf32> to vector<192x28xf32>
    %slice3A_201 = vector.extract_strided_slice %get3A_3 {offsets = [0, 5740], sizes = [192, 28], strides = [1, 1]} : vector<192x6272xf32> to vector<192x28xf32>
    %slice3A_202 = vector.extract_strided_slice %get3A_3 {offsets = [0, 5964], sizes = [192, 28], strides = [1, 1]} : vector<192x6272xf32> to vector<192x28xf32>
    %slice3A_203 = vector.extract_strided_slice %get3A_3 {offsets = [0, 6188], sizes = [192, 28], strides = [1, 1]} : vector<192x6272xf32> to vector<192x28xf32>
    %concatenate3A_204 = tpu.concatenate %slice3A_176, %slice3A_177, %slice3A_178, %slice3A_179, %slice3A_180, %slice3A_181, %slice3A_182, %slice3A_183, %slice3A_184, %slice3A_185, %slice3A_186, %slice3A_187, %slice3A_188, %slice3A_189, %slice3A_190, %slice3A_191, %slice3A_192, %slice3A_193, %slice3A_194, %slice3A_195, %slice3A_196, %slice3A_197, %slice3A_198, %slice3A_199, %slice3A_200, %slice3A_201, %slice3A_202, %slice3A_203 in 1 : vector<192x28xf32>, vector<192x28xf32>, vector<192x28xf32>, vector<192x28xf32>, vector<192x28xf32>, vector<192x28xf32>, vector<192x28xf32>, vector<192x28xf32>, vector<192x28xf32>, vector<192x28xf32>, vector<192x28xf32>, vector<192x28xf32>, vector<192x28xf32>, vector<192x28xf32>, vector<192x28xf32>, vector<192x28xf32>, vector<192x28xf32>, vector<192x28xf32>, vector<192x28xf32>, vector<192x28xf32>, vector<192x28xf32>, vector<192x28xf32>, vector<192x28xf32>, vector<192x28xf32>, vector<192x28xf32>, vector<192x28xf32>, vector<192x28xf32>, vector<192x28xf32> -> vector<192x784xf32>
    %swap3A_205 = arith.constant 5 : index
    %swap3A_206 = arith.constant 0 : index
    %swap3A_207 = arith.constant 0 : index
    %swap3A_208 = vector.load %arg3[%swap3A_205, %swap3A_206, %swap3A_207] : memref<8x192x784xf32, #tpu.memory_space<vmem>>, vector<1x192x784xf32>
    %swap3A_209 = vector.shape_cast %swap3A_208 : vector<1x192x784xf32> to vector<192x784xf32>
    %swap3A_210 = vector.shape_cast %concatenate3A_204 : vector<192x784xf32> to vector<1x192x784xf32>
    tpu.vector_store %arg3[%swap3A_205, %swap3A_206, %swap3A_207], %swap3A_210 {strides = array<i32>} : memref<8x192x784xf32, #tpu.memory_space<vmem>>, vector<1x192x784xf32>,
    %slice3A_211 = vector.extract_strided_slice %get3A_3 {offsets = [0, 168], sizes = [192, 28], strides = [1, 1]} : vector<192x6272xf32> to vector<192x28xf32>
    %slice3A_212 = vector.extract_strided_slice %get3A_3 {offsets = [0, 392], sizes = [192, 28], strides = [1, 1]} : vector<192x6272xf32> to vector<192x28xf32>
    %slice3A_213 = vector.extract_strided_slice %get3A_3 {offsets = [0, 616], sizes = [192, 28], strides = [1, 1]} : vector<192x6272xf32> to vector<192x28xf32>
    %slice3A_214 = vector.extract_strided_slice %get3A_3 {offsets = [0, 840], sizes = [192, 28], strides = [1, 1]} : vector<192x6272xf32> to vector<192x28xf32>
    %slice3A_215 = vector.extract_strided_slice %get3A_3 {offsets = [0, 1064], sizes = [192, 28], strides = [1, 1]} : vector<192x6272xf32> to vector<192x28xf32>
    %slice3A_216 = vector.extract_strided_slice %get3A_3 {offsets = [0, 1288], sizes = [192, 28], strides = [1, 1]} : vector<192x6272xf32> to vector<192x28xf32>
    %slice3A_217 = vector.extract_strided_slice %get3A_3 {offsets = [0, 1512], sizes = [192, 28], strides = [1, 1]} : vector<192x6272xf32> to vector<192x28xf32>
    %slice3A_218 = vector.extract_strided_slice %get3A_3 {offsets = [0, 1736], sizes = [192, 28], strides = [1, 1]} : vector<192x6272xf32> to vector<192x28xf32>
    %slice3A_219 = vector.extract_strided_slice %get3A_3 {offsets = [0, 1960], sizes = [192, 28], strides = [1, 1]} : vector<192x6272xf32> to vector<192x28xf32>
    %slice3A_220 = vector.extract_strided_slice %get3A_3 {offsets = [0, 2184], sizes = [192, 28], strides = [1, 1]} : vector<192x6272xf32> to vector<192x28xf32>
    %slice3A_221 = vector.extract_strided_slice %get3A_3 {offsets = [0, 2408], sizes = [192, 28], strides = [1, 1]} : vector<192x6272xf32> to vector<192x28xf32>
    %slice3A_222 = vector.extract_strided_slice %get3A_3 {offsets = [0, 2632], sizes = [192, 28], strides = [1, 1]} : vector<192x6272xf32> to vector<192x28xf32>
    %slice3A_223 = vector.extract_strided_slice %get3A_3 {offsets = [0, 2856], sizes = [192, 28], strides = [1, 1]} : vector<192x6272xf32> to vector<192x28xf32>
    %slice3A_224 = vector.extract_strided_slice %get3A_3 {offsets = [0, 3080], sizes = [192, 28], strides = [1, 1]} : vector<192x6272xf32> to vector<192x28xf32>
    %slice3A_225 = vector.extract_strided_slice %get3A_3 {offsets = [0, 3304], sizes = [192, 28], strides = [1, 1]} : vector<192x6272xf32> to vector<192x28xf32>
    %slice3A_226 = vector.extract_strided_slice %get3A_3 {offsets = [0, 3528], sizes = [192, 28], strides = [1, 1]} : vector<192x6272xf32> to vector<192x28xf32>
    %slice3A_227 = vector.extract_strided_slice %get3A_3 {offsets = [0, 3752], sizes = [192, 28], strides = [1, 1]} : vector<192x6272xf32> to vector<192x28xf32>
    %slice3A_228 = vector.extract_strided_slice %get3A_3 {offsets = [0, 3976], sizes = [192, 28], strides = [1, 1]} : vector<192x6272xf32> to vector<192x28xf32>
    %slice3A_229 = vector.extract_strided_slice %get3A_3 {offsets = [0, 4200], sizes = [192, 28], strides = [1, 1]} : vector<192x6272xf32> to vector<192x28xf32>
    %slice3A_230 = vector.extract_strided_slice %get3A_3 {offsets = [0, 4424], sizes = [192, 28], strides = [1, 1]} : vector<192x6272xf32> to vector<192x28xf32>
    %slice3A_231 = vector.extract_strided_slice %get3A_3 {offsets = [0, 4648], sizes = [192, 28], strides = [1, 1]} : vector<192x6272xf32> to vector<192x28xf32>
    %slice3A_232 = vector.extract_strided_slice %get3A_3 {offsets = [0, 4872], sizes = [192, 28], strides = [1, 1]} : vector<192x6272xf32> to vector<192x28xf32>
    %slice3A_233 = vector.extract_strided_slice %get3A_3 {offsets = [0, 5096], sizes = [192, 28], strides = [1, 1]} : vector<192x6272xf32> to vector<192x28xf32>
    %slice3A_234 = vector.extract_strided_slice %get3A_3 {offsets = [0, 5320], sizes = [192, 28], strides = [1, 1]} : vector<192x6272xf32> to vector<192x28xf32>
    %slice3A_235 = vector.extract_strided_slice %get3A_3 {offsets = [0, 5544], sizes = [192, 28], strides = [1, 1]} : vector<192x6272xf32> to vector<192x28xf32>
    %slice3A_236 = vector.extract_strided_slice %get3A_3 {offsets = [0, 5768], sizes = [192, 28], strides = [1, 1]} : vector<192x6272xf32> to vector<192x28xf32>
    %slice3A_237 = vector.extract_strided_slice %get3A_3 {offsets = [0, 5992], sizes = [192, 28], strides = [1, 1]} : vector<192x6272xf32> to vector<192x28xf32>
    %slice3A_238 = vector.extract_strided_slice %get3A_3 {offsets = [0, 6216], sizes = [192, 28], strides = [1, 1]} : vector<192x6272xf32> to vector<192x28xf32>
    %concatenate3A_239 = tpu.concatenate %slice3A_211, %slice3A_212, %slice3A_213, %slice3A_214, %slice3A_215, %slice3A_216, %slice3A_217, %slice3A_218, %slice3A_219, %slice3A_220, %slice3A_221, %slice3A_222, %slice3A_223, %slice3A_224, %slice3A_225, %slice3A_226, %slice3A_227, %slice3A_228, %slice3A_229, %slice3A_230, %slice3A_231, %slice3A_232, %slice3A_233, %slice3A_234, %slice3A_235, %slice3A_236, %slice3A_237, %slice3A_238 in 1 : vector<192x28xf32>, vector<192x28xf32>, vector<192x28xf32>, vector<192x28xf32>, vector<192x28xf32>, vector<192x28xf32>, vector<192x28xf32>, vector<192x28xf32>, vector<192x28xf32>, vector<192x28xf32>, vector<192x28xf32>, vector<192x28xf32>, vector<192x28xf32>, vector<192x28xf32>, vector<192x28xf32>, vector<192x28xf32>, vector<192x28xf32>, vector<192x28xf32>, vector<192x28xf32>, vector<192x28xf32>, vector<192x28xf32>, vector<192x28xf32>, vector<192x28xf32>, vector<192x28xf32>, vector<192x28xf32>, vector<192x28xf32>, vector<192x28xf32>, vector<192x28xf32> -> vector<192x784xf32>
    %swap3A_240 = arith.constant 6 : index
    %swap3A_241 = arith.constant 0 : index
    %swap3A_242 = arith.constant 0 : index
    %swap3A_243 = vector.load %arg3[%swap3A_240, %swap3A_241, %swap3A_242] : memref<8x192x784xf32, #tpu.memory_space<vmem>>, vector<1x192x784xf32>
    %swap3A_244 = vector.shape_cast %swap3A_243 : vector<1x192x784xf32> to vector<192x784xf32>
    %swap3A_245 = vector.shape_cast %concatenate3A_239 : vector<192x784xf32> to vector<1x192x784xf32>
    tpu.vector_store %arg3[%swap3A_240, %swap3A_241, %swap3A_242], %swap3A_245 {strides = array<i32>} : memref<8x192x784xf32, #tpu.memory_space<vmem>>, vector<1x192x784xf32>,
    %slice3A_246 = vector.extract_strided_slice %get3A_3 {offsets = [0, 196], sizes = [192, 28], strides = [1, 1]} : vector<192x6272xf32> to vector<192x28xf32>
    %slice3A_247 = vector.extract_strided_slice %get3A_3 {offsets = [0, 420], sizes = [192, 28], strides = [1, 1]} : vector<192x6272xf32> to vector<192x28xf32>
    %slice3A_248 = vector.extract_strided_slice %get3A_3 {offsets = [0, 644], sizes = [192, 28], strides = [1, 1]} : vector<192x6272xf32> to vector<192x28xf32>
    %slice3A_249 = vector.extract_strided_slice %get3A_3 {offsets = [0, 868], sizes = [192, 28], strides = [1, 1]} : vector<192x6272xf32> to vector<192x28xf32>
    %slice3A_250 = vector.extract_strided_slice %get3A_3 {offsets = [0, 1092], sizes = [192, 28], strides = [1, 1]} : vector<192x6272xf32> to vector<192x28xf32>
    %slice3A_251 = vector.extract_strided_slice %get3A_3 {offsets = [0, 1316], sizes = [192, 28], strides = [1, 1]} : vector<192x6272xf32> to vector<192x28xf32>
    %slice3A_252 = vector.extract_strided_slice %get3A_3 {offsets = [0, 1540], sizes = [192, 28], strides = [1, 1]} : vector<192x6272xf32> to vector<192x28xf32>
    %slice3A_253 = vector.extract_strided_slice %get3A_3 {offsets = [0, 1764], sizes = [192, 28], strides = [1, 1]} : vector<192x6272xf32> to vector<192x28xf32>
    %slice3A_254 = vector.extract_strided_slice %get3A_3 {offsets = [0, 1988], sizes = [192, 28], strides = [1, 1]} : vector<192x6272xf32> to vector<192x28xf32>
    %slice3A_255 = vector.extract_strided_slice %get3A_3 {offsets = [0, 2212], sizes = [192, 28], strides = [1, 1]} : vector<192x6272xf32> to vector<192x28xf32>
    %slice3A_256 = vector.extract_strided_slice %get3A_3 {offsets = [0, 2436], sizes = [192, 28], strides = [1, 1]} : vector<192x6272xf32> to vector<192x28xf32>
    %slice3A_257 = vector.extract_strided_slice %get3A_3 {offsets = [0, 2660], sizes = [192, 28], strides = [1, 1]} : vector<192x6272xf32> to vector<192x28xf32>
    %slice3A_258 = vector.extract_strided_slice %get3A_3 {offsets = [0, 2884], sizes = [192, 28], strides = [1, 1]} : vector<192x6272xf32> to vector<192x28xf32>
    %slice3A_259 = vector.extract_strided_slice %get3A_3 {offsets = [0, 3108], sizes = [192, 28], strides = [1, 1]} : vector<192x6272xf32> to vector<192x28xf32>
    %slice3A_260 = vector.extract_strided_slice %get3A_3 {offsets = [0, 3332], sizes = [192, 28], strides = [1, 1]} : vector<192x6272xf32> to vector<192x28xf32>
    %slice3A_261 = vector.extract_strided_slice %get3A_3 {offsets = [0, 3556], sizes = [192, 28], strides = [1, 1]} : vector<192x6272xf32> to vector<192x28xf32>
    %slice3A_262 = vector.extract_strided_slice %get3A_3 {offsets = [0, 3780], sizes = [192, 28], strides = [1, 1]} : vector<192x6272xf32> to vector<192x28xf32>
    %slice3A_263 = vector.extract_strided_slice %get3A_3 {offsets = [0, 4004], sizes = [192, 28], strides = [1, 1]} : vector<192x6272xf32> to vector<192x28xf32>
    %slice3A_264 = vector.extract_strided_slice %get3A_3 {offsets = [0, 4228], sizes = [192, 28], strides = [1, 1]} : vector<192x6272xf32> to vector<192x28xf32>
    %slice3A_265 = vector.extract_strided_slice %get3A_3 {offsets = [0, 4452], sizes = [192, 28], strides = [1, 1]} : vector<192x6272xf32> to vector<192x28xf32>
    %slice3A_266 = vector.extract_strided_slice %get3A_3 {offsets = [0, 4676], sizes = [192, 28], strides = [1, 1]} : vector<192x6272xf32> to vector<192x28xf32>
    %slice3A_267 = vector.extract_strided_slice %get3A_3 {offsets = [0, 4900], sizes = [192, 28], strides = [1, 1]} : vector<192x6272xf32> to vector<192x28xf32>
    %slice3A_268 = vector.extract_strided_slice %get3A_3 {offsets = [0, 5124], sizes = [192, 28], strides = [1, 1]} : vector<192x6272xf32> to vector<192x28xf32>
    %slice3A_269 = vector.extract_strided_slice %get3A_3 {offsets = [0, 5348], sizes = [192, 28], strides = [1, 1]} : vector<192x6272xf32> to vector<192x28xf32>
    %slice3A_270 = vector.extract_strided_slice %get3A_3 {offsets = [0, 5572], sizes = [192, 28], strides = [1, 1]} : vector<192x6272xf32> to vector<192x28xf32>
    %slice3A_271 = vector.extract_strided_slice %get3A_3 {offsets = [0, 5796], sizes = [192, 28], strides = [1, 1]} : vector<192x6272xf32> to vector<192x28xf32>
    %slice3A_272 = vector.extract_strided_slice %get3A_3 {offsets = [0, 6020], sizes = [192, 28], strides = [1, 1]} : vector<192x6272xf32> to vector<192x28xf32>
    %slice3A_273 = vector.extract_strided_slice %get3A_3 {offsets = [0, 6244], sizes = [192, 28], strides = [1, 1]} : vector<192x6272xf32> to vector<192x28xf32>
    %concatenate3A_274 = tpu.concatenate %slice3A_246, %slice3A_247, %slice3A_248, %slice3A_249, %slice3A_250, %slice3A_251, %slice3A_252, %slice3A_253, %slice3A_254, %slice3A_255, %slice3A_256, %slice3A_257, %slice3A_258, %slice3A_259, %slice3A_260, %slice3A_261, %slice3A_262, %slice3A_263, %slice3A_264, %slice3A_265, %slice3A_266, %slice3A_267, %slice3A_268, %slice3A_269, %slice3A_270, %slice3A_271, %slice3A_272, %slice3A_273 in 1 : vector<192x28xf32>, vector<192x28xf32>, vector<192x28xf32>, vector<192x28xf32>, vector<192x28xf32>, vector<192x28xf32>, vector<192x28xf32>, vector<192x28xf32>, vector<192x28xf32>, vector<192x28xf32>, vector<192x28xf32>, vector<192x28xf32>, vector<192x28xf32>, vector<192x28xf32>, vector<192x28xf32>, vector<192x28xf32>, vector<192x28xf32>, vector<192x28xf32>, vector<192x28xf32>, vector<192x28xf32>, vector<192x28xf32>, vector<192x28xf32>, vector<192x28xf32>, vector<192x28xf32>, vector<192x28xf32>, vector<192x28xf32>, vector<192x28xf32>, vector<192x28xf32> -> vector<192x784xf32>
    %swap3A_275 = arith.constant 7 : index
    %swap3A_276 = arith.constant 0 : index
    %swap3A_277 = arith.constant 0 : index
    %swap3A_278 = vector.load %arg3[%swap3A_275, %swap3A_276, %swap3A_277] : memref<8x192x784xf32, #tpu.memory_space<vmem>>, vector<1x192x784xf32>
    %swap3A_279 = vector.shape_cast %swap3A_278 : vector<1x192x784xf32> to vector<192x784xf32>
    %swap3A_280 = vector.shape_cast %concatenate3A_274 : vector<192x784xf32> to vector<1x192x784xf32>
    tpu.vector_store %arg3[%swap3A_275, %swap3A_276, %swap3A_277], %swap3A_280 {strides = array<i32>} : memref<8x192x784xf32, #tpu.memory_space<vmem>>, vector<1x192x784xf32>,
    return
  }
  func.func @transform_0(%arg0: i32, %arg1: i32) -> (i32, i32, i32) {
    %c0_i32 = arith.constant 0 : i32
    %c0_i32_0 = arith.constant 0 : i32
    return %arg0, %c0_i32, %arg1 : i32, i32, i32
  }
  func.func @transform_1(%arg0: i32, %arg1: i32) -> (i32, i32, i32) {
    %mul3A = arith.constant 8 : i32
    %mul3A_0 = arith.muli %arg0, %mul3A : i32
    %add3A = arith.addi %mul3A_0, %arg1 : i32
    %c0_i32 = arith.constant 0 : i32
    %c0_i32_1 = arith.constant 0 : i32
    %c0_i32_2 = arith.constant 0 : i32
    return %add3A, %c0_i32, %c0_i32_1 : i32, i32, i32
  }
}

module attributes {stable_mosaic.version = 14 : i64} {
  func.func @_tile_kernel(%arg0: i32, %arg1: memref<1x192x784xf32, #tpu.memory_space<vmem>>, %arg2: memref<384x192xf32, #tpu.memory_space<vmem>>, %arg3: memref<384x1xf32, #tpu.memory_space<vmem>>, %arg4: memref<384x192xf32, #tpu.memory_space<vmem>>, %arg5: memref<384x1xf32, #tpu.memory_space<vmem>>, %arg6: memref<784x196xf32, #tpu.memory_space<vmem>>, %arg7: memref<1x384x196xf32, #tpu.memory_space<vmem>>, %arg8: memref<1x1x8xf32, #tpu.memory_space<vmem>>) attributes {dimension_semantics = [#tpu.dimension_semantics<arbitrary>], iteration_bounds = array<i64: 128>, scalar_prefetch = 0 : i64, scratch_operands = 0 : i64, tpu.core_type = #tpu.core_type<tc>, window_params = [{transform_indices = @transform_0, window_bounds = array<i64: 1, 192, 784>}, {pipeline_mode = #tpu.pipeline_mode<synchronous>, transform_indices = @transform_1, window_bounds = array<i64: 384, 192>}, {pipeline_mode = #tpu.pipeline_mode<synchronous>, transform_indices = @transform_2, window_bounds = array<i64: 384, 1>}, {pipeline_mode = #tpu.pipeline_mode<synchronous>, transform_indices = @transform_3, window_bounds = array<i64: 384, 192>}, {pipeline_mode = #tpu.pipeline_mode<synchronous>, transform_indices = @transform_4, window_bounds = array<i64: 384, 1>}, {pipeline_mode = #tpu.pipeline_mode<synchronous>, transform_indices = @transform_5, window_bounds = array<i64: 784, 196>}, {transform_indices = @transform_6, window_bounds = array<i64: 1, 384, 196>}, {transform_indices = @transform_7, window_bounds = array<i64: 1, 1, 8>}]} {
    %get3A = arith.constant 0 : index
    %get3A_0 = arith.constant 0 : index
    %get3A_1 = arith.constant 0 : index
    %get3A_2 = vector.load %arg1[%get3A, %get3A_0, %get3A_1] : memref<1x192x784xf32, #tpu.memory_space<vmem>>, vector<1x192x784xf32>
    %get3A_3 = vector.shape_cast %get3A_2 : vector<1x192x784xf32> to vector<192x784xf32>
    %get3A_4 = arith.constant 0 : index
    %get3A_5 = arith.constant 0 : index
    %get3A_6 = vector.load %arg2[%get3A_4, %get3A_5] : memref<384x192xf32, #tpu.memory_space<vmem>>, vector<384x192xf32>
    %dot_general3A = arith.constant dense<0.000000e+00> : vector<384x784xf32>
    %dot_general3A_7 = tpu.matmul %get3A_6, %get3A_3, %dot_general3A {dimension_numbers = #tpu.dot_dimension_numbers<[1], [0], [0], [1], [0, 0, 1, 1], [], []>, transpose_lhs_hint = false} : vector<384x192xf32>, vector<192x784xf32>, vector<384x784xf32> -> vector<384x784xf32>
    %get3A_8 = arith.constant 0 : index
    %get3A_9 = arith.constant 0 : index
    %get3A_10 = vector.load %arg3[%get3A_8, %get3A_9] : memref<384x1xf32, #tpu.memory_space<vmem>>, vector<384x1xf32>
    %add3A = vector.broadcast %get3A_10 : vector<384x1xf32> to vector<384x784xf32>
    %add3A_11 = arith.addf %dot_general3A_7, %add3A : vector<384x784xf32>
    %get3A_12 = arith.constant 0 : index
    %get3A_13 = arith.constant 0 : index
    %get3A_14 = vector.load %arg4[%get3A_12, %get3A_13] : memref<384x192xf32, #tpu.memory_space<vmem>>, vector<384x192xf32>
    %dot_general3A_15 = arith.constant dense<0.000000e+00> : vector<384x784xf32>
    %dot_general3A_16 = tpu.matmul %get3A_14, %get3A_3, %dot_general3A_15 {dimension_numbers = #tpu.dot_dimension_numbers<[1], [0], [0], [1], [0, 0, 1, 1], [], []>, transpose_lhs_hint = false} : vector<384x192xf32>, vector<192x784xf32>, vector<384x784xf32> -> vector<384x784xf32>
    %get3A_17 = arith.constant 0 : index
    %get3A_18 = arith.constant 0 : index
    %get3A_19 = vector.load %arg5[%get3A_17, %get3A_18] : memref<384x1xf32, #tpu.memory_space<vmem>>, vector<384x1xf32>
    %add3A_20 = vector.broadcast %get3A_19 : vector<384x1xf32> to vector<384x784xf32>
    %add3A_21 = arith.addf %dot_general3A_16, %add3A_20 : vector<384x784xf32>
    %get3A_22 = arith.constant 0 : index
    %get3A_23 = arith.constant 0 : index
    %get3A_24 = vector.load %arg6[%get3A_22, %get3A_23] : memref<784x196xf32, #tpu.memory_space<vmem>>, vector<784x196xf32>
    %dot_general3A_25 = arith.constant dense<0.000000e+00> : vector<384x196xf32>
    %dot_general3A_26 = tpu.matmul %add3A_11, %get3A_24, %dot_general3A_25 {dimension_numbers = #tpu.dot_dimension_numbers<[1], [0], [0], [1], [0, 0, 1, 1], [], []>, transpose_lhs_hint = false} : vector<384x784xf32>, vector<784x196xf32>, vector<384x196xf32> -> vector<384x196xf32>
    %mul3A = arith.mulf %dot_general3A_26, %dot_general3A_26 : vector<384x196xf32>
    %reduce_sum3A = arith.constant dense<0.000000e+00> : vector<196xf32>
    %reduce_sum3A_27 = vector.multi_reduction <add>, %mul3A, %reduce_sum3A [0] : vector<384x196xf32> to vector<196xf32>
    %broadcast_in_dim3A = vector.shape_cast %reduce_sum3A_27 : vector<196xf32> to vector<1x196xf32>
    %sqrt3A = math.sqrt %broadcast_in_dim3A : vector<1x196xf32>
    %max3A = arith.constant 9.99999996E-13 : f32
    %max3A_28 = vector.broadcast %max3A : f32 to vector<1x196xf32>
    %max3A_29 = arith.maximumf %sqrt3A, %max3A_28 : vector<1x196xf32>
    %div3A = vector.broadcast %max3A_29 : vector<1x196xf32> to vector<384x196xf32>
    %div3A_30 = arith.divf %dot_general3A_26, %div3A : vector<384x196xf32>
    %dot_general3A_31 = arith.constant dense<0.000000e+00> : vector<784x196xf32>
    %dot_general3A_32 = tpu.matmul %add3A_11, %div3A_30, %dot_general3A_31 {dimension_numbers = #tpu.dot_dimension_numbers<[0], [0], [1], [1], [0, 1, 1, 1], [], []>, transpose_lhs_hint = false} : vector<384x784xf32>, vector<384x196xf32>, vector<784x196xf32> -> vector<784x196xf32>
    %reduce_max3A = arith.constant dense<0xFF800000> : vector<784xf32>
    %reduce_max3A_33 = vector.multi_reduction <maximumf>, %dot_general3A_32, %reduce_max3A [1] : vector<784x196xf32> to vector<784xf32>
    %broadcast_in_dim3A_34 = vector.shape_cast %reduce_max3A_33 : vector<784xf32> to vector<784x1xf32>
    %iota3A = tpu.iota {dimensions = array<i32: 1>} : vector<784x196xi32>
    %ge3A = vector.broadcast %broadcast_in_dim3A_34 : vector<784x1xf32> to vector<784x196xf32>
    %ge3A_35 = arith.cmpf oge, %dot_general3A_32, %ge3A : vector<784x196xf32>
    %jit3A = arith.constant 196 : i32
    %broadcast_in_dim3A_36 = vector.broadcast %jit3A : i32 to vector<784x196xi32>
    %select_n3A = arith.select %ge3A_35, %iota3A, %broadcast_in_dim3A_36 : vector<784x196xi1>, vector<784x196xi32>
    %reduce_min3A = arith.constant dense<2147483647> : vector<784xi32>
    %reduce_min3A_37 = vector.multi_reduction <minsi>, %select_n3A, %reduce_min3A [1] : vector<784x196xi32> to vector<784xi32>
    %broadcast_in_dim3A_38 = vector.shape_cast %reduce_min3A_37 : vector<784xi32> to vector<784x1xi32>
    %eq3A = vector.broadcast %broadcast_in_dim3A_38 : vector<784x1xi32> to vector<784x196xi32>
    %eq3A_39 = arith.cmpi eq, %iota3A, %eq3A : vector<784x196xi32>
    %convert_element_type3A = arith.extui %eq3A_39 : vector<784x196xi1> to vector<784x196xi32>
    %convert_element_type3A_40 = arith.sitofp %convert_element_type3A : vector<784x196xi32> to vector<784x196xf32>
    %broadcast_in_dim3A_41 = arith.constant 1.000000e+00 : f32
    %broadcast_in_dim3A_42 = vector.broadcast %broadcast_in_dim3A_41 : f32 to vector<1x784xf32>
    %dot_general3A_43 = arith.constant dense<0.000000e+00> : vector<1x196xf32>
    %dot_general3A_44 = tpu.matmul %broadcast_in_dim3A_42, %convert_element_type3A_40, %dot_general3A_43 {dimension_numbers = #tpu.dot_dimension_numbers<[1], [0], [0], [1], [0, 0, 1, 1], [], []>, transpose_lhs_hint = false} : vector<1x784xf32>, vector<784x196xf32>, vector<1x196xf32> -> vector<1x196xf32>
    %add3A_45 = arith.addf %convert_element_type3A_40, %get3A_24 : vector<784x196xf32>
    %dot_general3A_46 = arith.constant dense<0.000000e+00> : vector<384x196xf32>
    %dot_general3A_47 = tpu.matmul %add3A_21, %add3A_45, %dot_general3A_46 {dimension_numbers = #tpu.dot_dimension_numbers<[1], [0], [0], [1], [0, 0, 1, 1], [], []>, transpose_lhs_hint = false} : vector<384x784xf32>, vector<784x196xf32>, vector<384x196xf32> -> vector<384x196xf32>
    %add3A_48 = arith.constant 1.000000e+00 : f32
    %add3A_49 = vector.broadcast %add3A_48 : f32 to vector<1x196xf32>
    %add3A_50 = arith.addf %dot_general3A_44, %add3A_49 : vector<1x196xf32>
    %div3A_51 = vector.broadcast %add3A_50 : vector<1x196xf32> to vector<384x196xf32>
    %div3A_52 = arith.divf %dot_general3A_47, %div3A_51 : vector<384x196xf32>
    %swap3A = arith.constant 0 : index
    %swap3A_53 = arith.constant 0 : index
    %swap3A_54 = arith.constant 0 : index
    %swap3A_55 = vector.load %arg7[%swap3A, %swap3A_53, %swap3A_54] : memref<1x384x196xf32, #tpu.memory_space<vmem>>, vector<1x384x196xf32>
    %swap3A_56 = vector.shape_cast %swap3A_55 : vector<1x384x196xf32> to vector<384x196xf32>
    %swap3A_57 = vector.shape_cast %div3A_52 : vector<384x196xf32> to vector<1x384x196xf32>
    tpu.vector_store %arg7[%swap3A, %swap3A_53, %swap3A_54], %swap3A_57 {strides = array<i32>} : memref<1x384x196xf32, #tpu.memory_space<vmem>>, vector<1x384x196xf32>,
    %reduce_sum3A_58 = vector.shape_cast %div3A_52 : vector<384x196xf32> to vector<1x384x196xf32>
    %reduce_sum3A_59 = arith.constant dense<0.000000e+00> : vector<1xf32>
    %reduce_sum3A_60 = vector.multi_reduction <add>, %reduce_sum3A_58, %reduce_sum3A_59 [1, 2] : vector<1x384x196xf32> to vector<1xf32>
    %reduce_sum3A_61 = vector.shape_cast %reduce_sum3A_60 : vector<1xf32> to vector<1x1x1xf32>
    %reduce_sum3A_62 = vector.extract %reduce_sum3A_61[0, 0, 0] : f32 from vector<1x1x1xf32>
    %mul3A_63 = arith.mulf %div3A_52, %div3A_52 : vector<384x196xf32>
    %reduce_sum3A_64 = vector.shape_cast %mul3A_63 : vector<384x196xf32> to vector<1x384x196xf32>
    %reduce_sum3A_65 = arith.constant dense<0.000000e+00> : vector<1xf32>
    %reduce_sum3A_66 = vector.multi_reduction <add>, %reduce_sum3A_64, %reduce_sum3A_65 [1, 2] : vector<1x384x196xf32> to vector<1xf32>
    %reduce_sum3A_67 = vector.shape_cast %reduce_sum3A_66 : vector<1xf32> to vector<1x1x1xf32>
    %reduce_sum3A_68 = vector.extract %reduce_sum3A_67[0, 0, 0] : f32 from vector<1x1x1xf32>
    %iota3A_69 = tpu.iota {dimensions = array<i32: 1>} : vector<1x8xi32>
    %eq3A_70 = arith.constant 0 : i32
    %eq3A_71 = vector.broadcast %eq3A_70 : i32 to vector<1x8xi32>
    %eq3A_72 = arith.cmpi eq, %iota3A_69, %eq3A_71 : vector<1x8xi32>
    %eq3A_73 = arith.constant 1 : i32
    %eq3A_74 = vector.broadcast %eq3A_73 : i32 to vector<1x8xi32>
    %eq3A_75 = arith.cmpi eq, %iota3A_69, %eq3A_74 : vector<1x8xi32>
    %jit3A_76 = arith.constant 0.000000e+00 : f32
    %broadcast_in_dim3A_77 = vector.broadcast %reduce_sum3A_68 : f32 to vector<1x8xf32>
    %broadcast_in_dim3A_78 = vector.broadcast %jit3A_76 : f32 to vector<1x8xf32>
    %select_n3A_79 = arith.select %eq3A_75, %broadcast_in_dim3A_77, %broadcast_in_dim3A_78 : vector<1x8xi1>, vector<1x8xf32>
    %broadcast_in_dim3A_80 = vector.broadcast %reduce_sum3A_62 : f32 to vector<1x8xf32>
    %select_n3A_81 = arith.select %eq3A_72, %broadcast_in_dim3A_80, %select_n3A_79 : vector<1x8xi1>, vector<1x8xf32>
    %swap3A_82 = arith.constant 0 : index
    %swap3A_83 = arith.constant 0 : index
    %swap3A_84 = arith.constant 0 : index
    %swap3A_85 = vector.load %arg8[%swap3A_82, %swap3A_83, %swap3A_84] : memref<1x1x8xf32, #tpu.memory_space<vmem>>, vector<1x1x8xf32>
    %swap3A_86 = vector.shape_cast %swap3A_85 : vector<1x1x8xf32> to vector<1x8xf32>
    %swap3A_87 = vector.shape_cast %select_n3A_81 : vector<1x8xf32> to vector<1x1x8xf32>
    tpu.vector_store %arg8[%swap3A_82, %swap3A_83, %swap3A_84], %swap3A_87 {strides = array<i32>} : memref<1x1x8xf32, #tpu.memory_space<vmem>>, vector<1x1x8xf32>,
    return
  }
  func.func @transform_0(%arg0: i32) -> (i32, i32, i32) {
    %c0_i32 = arith.constant 0 : i32
    %c0_i32_0 = arith.constant 0 : i32
    %c0_i32_1 = arith.constant 0 : i32
    return %arg0, %c0_i32, %c0_i32_0 : i32, i32, i32
  }
  func.func @transform_1(%arg0: i32) -> (i32, i32) {
    %c0_i32 = arith.constant 0 : i32
    %c0_i32_0 = arith.constant 0 : i32
    %c0_i32_1 = arith.constant 0 : i32
    return %c0_i32, %c0_i32_0 : i32, i32
  }
  func.func @transform_2(%arg0: i32) -> (i32, i32) {
    %c0_i32 = arith.constant 0 : i32
    %c0_i32_0 = arith.constant 0 : i32
    %c0_i32_1 = arith.constant 0 : i32
    return %c0_i32, %c0_i32_0 : i32, i32
  }
  func.func @transform_3(%arg0: i32) -> (i32, i32) {
    %c0_i32 = arith.constant 0 : i32
    %c0_i32_0 = arith.constant 0 : i32
    %c0_i32_1 = arith.constant 0 : i32
    return %c0_i32, %c0_i32_0 : i32, i32
  }
  func.func @transform_4(%arg0: i32) -> (i32, i32) {
    %c0_i32 = arith.constant 0 : i32
    %c0_i32_0 = arith.constant 0 : i32
    %c0_i32_1 = arith.constant 0 : i32
    return %c0_i32, %c0_i32_0 : i32, i32
  }
  func.func @transform_5(%arg0: i32) -> (i32, i32) {
    %c0_i32 = arith.constant 0 : i32
    %c0_i32_0 = arith.constant 0 : i32
    %c0_i32_1 = arith.constant 0 : i32
    return %c0_i32, %c0_i32_0 : i32, i32
  }
  func.func @transform_6(%arg0: i32) -> (i32, i32, i32) {
    %c0_i32 = arith.constant 0 : i32
    %c0_i32_0 = arith.constant 0 : i32
    %c0_i32_1 = arith.constant 0 : i32
    return %arg0, %c0_i32, %c0_i32_0 : i32, i32, i32
  }
  func.func @transform_7(%arg0: i32) -> (i32, i32, i32) {
    %c0_i32 = arith.constant 0 : i32
    %c0_i32_0 = arith.constant 0 : i32
    %c0_i32_1 = arith.constant 0 : i32
    return %arg0, %c0_i32, %c0_i32_0 : i32, i32, i32
  }
}

module attributes {stable_mosaic.version = 14 : i64} {
  func.func @_phase_kernel(%arg0: i32, %arg1: i32, %arg2: memref<1x192x16x226xf32, #tpu.memory_space<vmem>>, %arg3: memref<226x226xf32, #tpu.memory_space<vmem>>, %arg4: memref<1x192x8x113xf32, #tpu.memory_space<vmem>>, %arg5: memref<1x192x8x113xf32, #tpu.memory_space<vmem>>, %arg6: memref<1x192x8x113xf32, #tpu.memory_space<vmem>>, %arg7: memref<1x192x8x113xf32, #tpu.memory_space<vmem>>) attributes {dimension_semantics = [#tpu.dimension_semantics<arbitrary>, #tpu.dimension_semantics<arbitrary>], iteration_bounds = array<i64: 2, 15>, scalar_prefetch = 0 : i64, scratch_operands = 0 : i64, tpu.core_type = #tpu.core_type<tc>, window_params = [{transform_indices = @transform_0, window_bounds = array<i64: 1, 192, 16, 226>}, {pipeline_mode = #tpu.pipeline_mode<synchronous>, transform_indices = @transform_1, window_bounds = array<i64: 226, 226>}, {transform_indices = @transform_2, window_bounds = array<i64: 1, 192, 8, 113>}, {transform_indices = @transform_3, window_bounds = array<i64: 1, 192, 8, 113>}, {transform_indices = @transform_4, window_bounds = array<i64: 1, 192, 8, 113>}, {transform_indices = @transform_5, window_bounds = array<i64: 1, 192, 8, 113>}]} {
    %get3A = arith.constant 0 : index
    %get3A_0 = arith.constant 0 : index
    %get3A_1 = arith.constant 0 : index
    %get3A_2 = arith.constant 0 : index
    %get3A_3 = vector.load %arg2[%get3A, %get3A_0, %get3A_1, %get3A_2] : memref<1x192x16x226xf32, #tpu.memory_space<vmem>>, vector<1x192x16x226xf32>
    %get3A_4 = vector.shape_cast %get3A_3 : vector<1x192x16x226xf32> to vector<192x16x226xf32>
    %reshape3A = vector.shape_cast %get3A_4 : vector<192x16x226xf32> to vector<3072x226xf32>
    %get3A_5 = arith.constant 0 : index
    %get3A_6 = arith.constant 0 : index
    %get3A_7 = vector.load %arg3[%get3A_5, %get3A_6] : memref<226x226xf32, #tpu.memory_space<vmem>>, vector<226x226xf32>
    %dot_general3A = arith.constant dense<0.000000e+00> : vector<3072x226xf32>
    %dot_general3A_8 = tpu.matmul %reshape3A, %get3A_7, %dot_general3A {dimension_numbers = #tpu.dot_dimension_numbers<[1], [0], [0], [1], [0, 0, 1, 1], [], []>, transpose_lhs_hint = false} : vector<3072x226xf32>, vector<226x226xf32>, vector<3072x226xf32> -> vector<3072x226xf32>
    %reshape3A_9 = vector.shape_cast %dot_general3A_8 : vector<3072x226xf32> to vector<192x16x226xf32>
    %reshape3A_10 = vector.shape_cast %reshape3A_9 : vector<192x16x226xf32> to vector<192x8x2x226xf32>
    %slice3A = vector.extract_strided_slice %reshape3A_10 {offsets = [0, 0, 0, 0], sizes = [192, 8, 1, 226], strides = [1, 1, 1, 1]} : vector<192x8x2x226xf32> to vector<192x8x1x226xf32>
    %squeeze3A = vector.shape_cast %slice3A : vector<192x8x1x226xf32> to vector<192x8x226xf32>
    %slice3A_11 = vector.extract_strided_slice %reshape3A_10 {offsets = [0, 0, 1, 0], sizes = [192, 8, 1, 226], strides = [1, 1, 1, 1]} : vector<192x8x2x226xf32> to vector<192x8x1x226xf32>
    %squeeze3A_12 = vector.shape_cast %slice3A_11 : vector<192x8x1x226xf32> to vector<192x8x226xf32>
    %slice3A_13 = vector.extract_strided_slice %squeeze3A {offsets = [0, 0, 0], sizes = [192, 8, 113], strides = [1, 1, 1]} : vector<192x8x226xf32> to vector<192x8x113xf32>
    %swap3A = arith.constant 0 : index
    %swap3A_14 = arith.constant 0 : index
    %swap3A_15 = arith.constant 0 : index
    %swap3A_16 = arith.constant 0 : index
    %swap3A_17 = vector.load %arg4[%swap3A, %swap3A_14, %swap3A_15, %swap3A_16] : memref<1x192x8x113xf32, #tpu.memory_space<vmem>>, vector<1x192x8x113xf32>
    %swap3A_18 = vector.shape_cast %swap3A_17 : vector<1x192x8x113xf32> to vector<192x8x113xf32>
    %swap3A_19 = vector.shape_cast %slice3A_13 : vector<192x8x113xf32> to vector<1x192x8x113xf32>
    tpu.vector_store %arg4[%swap3A, %swap3A_14, %swap3A_15, %swap3A_16], %swap3A_19 {strides = array<i32>} : memref<1x192x8x113xf32, #tpu.memory_space<vmem>>, vector<1x192x8x113xf32>,
    %slice3A_20 = vector.extract_strided_slice %squeeze3A {offsets = [0, 0, 113], sizes = [192, 8, 113], strides = [1, 1, 1]} : vector<192x8x226xf32> to vector<192x8x113xf32>
    %swap3A_21 = arith.constant 0 : index
    %swap3A_22 = arith.constant 0 : index
    %swap3A_23 = arith.constant 0 : index
    %swap3A_24 = arith.constant 0 : index
    %swap3A_25 = vector.load %arg5[%swap3A_21, %swap3A_22, %swap3A_23, %swap3A_24] : memref<1x192x8x113xf32, #tpu.memory_space<vmem>>, vector<1x192x8x113xf32>
    %swap3A_26 = vector.shape_cast %swap3A_25 : vector<1x192x8x113xf32> to vector<192x8x113xf32>
    %swap3A_27 = vector.shape_cast %slice3A_20 : vector<192x8x113xf32> to vector<1x192x8x113xf32>
    tpu.vector_store %arg5[%swap3A_21, %swap3A_22, %swap3A_23, %swap3A_24], %swap3A_27 {strides = array<i32>} : memref<1x192x8x113xf32, #tpu.memory_space<vmem>>, vector<1x192x8x113xf32>,
    %slice3A_28 = vector.extract_strided_slice %squeeze3A_12 {offsets = [0, 0, 0], sizes = [192, 8, 113], strides = [1, 1, 1]} : vector<192x8x226xf32> to vector<192x8x113xf32>
    %swap3A_29 = arith.constant 0 : index
    %swap3A_30 = arith.constant 0 : index
    %swap3A_31 = arith.constant 0 : index
    %swap3A_32 = arith.constant 0 : index
    %swap3A_33 = vector.load %arg6[%swap3A_29, %swap3A_30, %swap3A_31, %swap3A_32] : memref<1x192x8x113xf32, #tpu.memory_space<vmem>>, vector<1x192x8x113xf32>
    %swap3A_34 = vector.shape_cast %swap3A_33 : vector<1x192x8x113xf32> to vector<192x8x113xf32>
    %swap3A_35 = vector.shape_cast %slice3A_28 : vector<192x8x113xf32> to vector<1x192x8x113xf32>
    tpu.vector_store %arg6[%swap3A_29, %swap3A_30, %swap3A_31, %swap3A_32], %swap3A_35 {strides = array<i32>} : memref<1x192x8x113xf32, #tpu.memory_space<vmem>>, vector<1x192x8x113xf32>,
    %slice3A_36 = vector.extract_strided_slice %squeeze3A_12 {offsets = [0, 0, 113], sizes = [192, 8, 113], strides = [1, 1, 1]} : vector<192x8x226xf32> to vector<192x8x113xf32>
    %swap3A_37 = arith.constant 0 : index
    %swap3A_38 = arith.constant 0 : index
    %swap3A_39 = arith.constant 0 : index
    %swap3A_40 = arith.constant 0 : index
    %swap3A_41 = vector.load %arg7[%swap3A_37, %swap3A_38, %swap3A_39, %swap3A_40] : memref<1x192x8x113xf32, #tpu.memory_space<vmem>>, vector<1x192x8x113xf32>
    %swap3A_42 = vector.shape_cast %swap3A_41 : vector<1x192x8x113xf32> to vector<192x8x113xf32>
    %swap3A_43 = vector.shape_cast %slice3A_36 : vector<192x8x113xf32> to vector<1x192x8x113xf32>
    tpu.vector_store %arg7[%swap3A_37, %swap3A_38, %swap3A_39, %swap3A_40], %swap3A_43 {strides = array<i32>} : memref<1x192x8x113xf32, #tpu.memory_space<vmem>>, vector<1x192x8x113xf32>,
    return
  }
  func.func @transform_0(%arg0: i32, %arg1: i32) -> (i32, i32, i32, i32) {
    %c0_i32 = arith.constant 0 : i32
    %c0_i32_0 = arith.constant 0 : i32
    %c0_i32_1 = arith.constant 0 : i32
    return %arg0, %c0_i32, %arg1, %c0_i32_0 : i32, i32, i32, i32
  }
  func.func @transform_1(%arg0: i32, %arg1: i32) -> (i32, i32) {
    %c0_i32 = arith.constant 0 : i32
    %c0_i32_0 = arith.constant 0 : i32
    %c0_i32_1 = arith.constant 0 : i32
    return %c0_i32, %c0_i32_0 : i32, i32
  }
  func.func @transform_2(%arg0: i32, %arg1: i32) -> (i32, i32, i32, i32) {
    %c0_i32 = arith.constant 0 : i32
    %c0_i32_0 = arith.constant 0 : i32
    %c0_i32_1 = arith.constant 0 : i32
    return %arg0, %c0_i32, %arg1, %c0_i32_0 : i32, i32, i32, i32
  }
  func.func @transform_3(%arg0: i32, %arg1: i32) -> (i32, i32, i32, i32) {
    %c0_i32 = arith.constant 0 : i32
    %c0_i32_0 = arith.constant 0 : i32
    %c0_i32_1 = arith.constant 0 : i32
    return %arg0, %c0_i32, %arg1, %c0_i32_0 : i32, i32, i32, i32
  }
  func.func @transform_4(%arg0: i32, %arg1: i32) -> (i32, i32, i32, i32) {
    %c0_i32 = arith.constant 0 : i32
    %c0_i32_0 = arith.constant 0 : i32
    %c0_i32_1 = arith.constant 0 : i32
    return %arg0, %c0_i32, %arg1, %c0_i32_0 : i32, i32, i32, i32
  }
  func.func @transform_5(%arg0: i32, %arg1: i32) -> (i32, i32, i32, i32) {
    %c0_i32 = arith.constant 0 : i32
    %c0_i32_0 = arith.constant 0 : i32
    %c0_i32_1 = arith.constant 0 : i32
    return %arg0, %c0_i32, %arg1, %c0_i32_0 : i32, i32, i32, i32
  }
}

module attributes {stable_mosaic.version = 14 : i64} {
  func.func @_conv_kernel(%arg0: i32, %arg1: i32, %arg2: memref<1x192x16x113xf32, #tpu.memory_space<vmem>>, %arg3: memref<1x192x16x113xf32, #tpu.memory_space<vmem>>, %arg4: memref<1x192x16x113xf32, #tpu.memory_space<vmem>>, %arg5: memref<1x192x16x113xf32, #tpu.memory_space<vmem>>, %arg6: memref<1x192x8x113xf32, #tpu.memory_space<vmem>>, %arg7: memref<1x192x8x113xf32, #tpu.memory_space<vmem>>, %arg8: memref<3x3x384x192xf32, #tpu.memory_space<vmem>>, %arg9: memref<384x1xf32, #tpu.memory_space<vmem>>, %arg10: memref<1x384x16x112xf32, #tpu.memory_space<vmem>>) attributes {dimension_semantics = [#tpu.dimension_semantics<arbitrary>, #tpu.dimension_semantics<arbitrary>], iteration_bounds = array<i64: 2, 7>, scalar_prefetch = 0 : i64, scratch_operands = 0 : i64, tpu.core_type = #tpu.core_type<tc>, window_params = [{transform_indices = @transform_0, window_bounds = array<i64: 1, 192, 16, 113>}, {transform_indices = @transform_1, window_bounds = array<i64: 1, 192, 16, 113>}, {transform_indices = @transform_2, window_bounds = array<i64: 1, 192, 16, 113>}, {transform_indices = @transform_3, window_bounds = array<i64: 1, 192, 16, 113>}, {transform_indices = @transform_4, window_bounds = array<i64: 1, 192, 8, 113>}, {transform_indices = @transform_5, window_bounds = array<i64: 1, 192, 8, 113>}, {pipeline_mode = #tpu.pipeline_mode<synchronous>, transform_indices = @transform_6, window_bounds = array<i64: 3, 3, 384, 192>}, {pipeline_mode = #tpu.pipeline_mode<synchronous>, transform_indices = @transform_7, window_bounds = array<i64: 384, 1>}, {transform_indices = @transform_8, window_bounds = array<i64: 1, 384, 16, 112>}]} {
    %get3A = arith.constant 0 : index
    %get3A_0 = arith.constant 0 : index
    %get3A_1 = arith.constant 0 : index
    %get3A_2 = arith.constant 0 : index
    %get3A_3 = vector.load %arg2[%get3A, %get3A_0, %get3A_1, %get3A_2] : memref<1x192x16x113xf32, #tpu.memory_space<vmem>>, vector<1x192x16x113xf32>
    %get3A_4 = vector.shape_cast %get3A_3 : vector<1x192x16x113xf32> to vector<192x16x113xf32>
    %slice3A = vector.extract_strided_slice %get3A_4 {offsets = [0, 0, 0], sizes = [192, 16, 112], strides = [1, 1, 1]} : vector<192x16x113xf32> to vector<192x16x112xf32>
    %reshape3A = vector.shape_cast %slice3A : vector<192x16x112xf32> to vector<192x1792xf32>
    %get3A_5 = arith.constant 0 : index
    %get3A_6 = arith.constant 0 : index
    %get3A_7 = arith.constant 0 : index
    %get3A_8 = arith.constant 0 : index
    %get3A_9 = vector.load %arg8[%get3A_5, %get3A_6, %get3A_7, %get3A_8] : memref<3x3x384x192xf32, #tpu.memory_space<vmem>>, vector<1x1x384x192xf32>
    %get3A_10 = vector.shape_cast %get3A_9 : vector<1x1x384x192xf32> to vector<384x192xf32>
    %dot_general3A = arith.constant dense<0.000000e+00> : vector<384x1792xf32>
    %dot_general3A_11 = tpu.matmul %get3A_10, %reshape3A, %dot_general3A {dimension_numbers = #tpu.dot_dimension_numbers<[1], [0], [0], [1], [0, 0, 1, 1], [], []>, transpose_lhs_hint = false} : vector<384x192xf32>, vector<192x1792xf32>, vector<384x1792xf32> -> vector<384x1792xf32>
    %get3A_12 = arith.constant 0 : index
    %get3A_13 = arith.constant 0 : index
    %get3A_14 = arith.constant 0 : index
    %get3A_15 = arith.constant 0 : index
    %get3A_16 = vector.load %arg3[%get3A_12, %get3A_13, %get3A_14, %get3A_15] : memref<1x192x16x113xf32, #tpu.memory_space<vmem>>, vector<1x192x16x113xf32>
    %get3A_17 = vector.shape_cast %get3A_16 : vector<1x192x16x113xf32> to vector<192x16x113xf32>
    %slice3A_18 = vector.extract_strided_slice %get3A_17 {offsets = [0, 0, 0], sizes = [192, 16, 112], strides = [1, 1, 1]} : vector<192x16x113xf32> to vector<192x16x112xf32>
    %reshape3A_19 = vector.shape_cast %slice3A_18 : vector<192x16x112xf32> to vector<192x1792xf32>
    %get3A_20 = arith.constant 0 : index
    %get3A_21 = arith.constant 1 : index
    %get3A_22 = arith.constant 0 : index
    %get3A_23 = arith.constant 0 : index
    %get3A_24 = vector.load %arg8[%get3A_20, %get3A_21, %get3A_22, %get3A_23] : memref<3x3x384x192xf32, #tpu.memory_space<vmem>>, vector<1x1x384x192xf32>
    %get3A_25 = vector.shape_cast %get3A_24 : vector<1x1x384x192xf32> to vector<384x192xf32>
    %dot_general3A_26 = arith.constant dense<0.000000e+00> : vector<384x1792xf32>
    %dot_general3A_27 = tpu.matmul %get3A_25, %reshape3A_19, %dot_general3A_26 {dimension_numbers = #tpu.dot_dimension_numbers<[1], [0], [0], [1], [0, 0, 1, 1], [], []>, transpose_lhs_hint = false} : vector<384x192xf32>, vector<192x1792xf32>, vector<384x1792xf32> -> vector<384x1792xf32>
    %add3A = arith.addf %dot_general3A_11, %dot_general3A_27 : vector<384x1792xf32>
    %get3A_28 = arith.constant 0 : index
    %get3A_29 = arith.constant 0 : index
    %get3A_30 = arith.constant 0 : index
    %get3A_31 = arith.constant 0 : index
    %get3A_32 = vector.load %arg2[%get3A_28, %get3A_29, %get3A_30, %get3A_31] : memref<1x192x16x113xf32, #tpu.memory_space<vmem>>, vector<1x192x16x113xf32>
    %get3A_33 = vector.shape_cast %get3A_32 : vector<1x192x16x113xf32> to vector<192x16x113xf32>
    %slice3A_34 = vector.extract_strided_slice %get3A_33 {offsets = [0, 0, 1], sizes = [192, 16, 112], strides = [1, 1, 1]} : vector<192x16x113xf32> to vector<192x16x112xf32>
    %reshape3A_35 = vector.shape_cast %slice3A_34 : vector<192x16x112xf32> to vector<192x1792xf32>
    %get3A_36 = arith.constant 0 : index
    %get3A_37 = arith.constant 2 : index
    %get3A_38 = arith.constant 0 : index
    %get3A_39 = arith.constant 0 : index
    %get3A_40 = vector.load %arg8[%get3A_36, %get3A_37, %get3A_38, %get3A_39] : memref<3x3x384x192xf32, #tpu.memory_space<vmem>>, vector<1x1x384x192xf32>
    %get3A_41 = vector.shape_cast %get3A_40 : vector<1x1x384x192xf32> to vector<384x192xf32>
    %dot_general3A_42 = arith.constant dense<0.000000e+00> : vector<384x1792xf32>
    %dot_general3A_43 = tpu.matmul %get3A_41, %reshape3A_35, %dot_general3A_42 {dimension_numbers = #tpu.dot_dimension_numbers<[1], [0], [0], [1], [0, 0, 1, 1], [], []>, transpose_lhs_hint = false} : vector<384x192xf32>, vector<192x1792xf32>, vector<384x1792xf32> -> vector<384x1792xf32>
    %add3A_44 = arith.addf %add3A, %dot_general3A_43 : vector<384x1792xf32>
    %get3A_45 = arith.constant 0 : index
    %get3A_46 = arith.constant 0 : index
    %get3A_47 = arith.constant 0 : index
    %get3A_48 = arith.constant 0 : index
    %get3A_49 = vector.load %arg4[%get3A_45, %get3A_46, %get3A_47, %get3A_48] : memref<1x192x16x113xf32, #tpu.memory_space<vmem>>, vector<1x192x16x113xf32>
    %get3A_50 = vector.shape_cast %get3A_49 : vector<1x192x16x113xf32> to vector<192x16x113xf32>
    %slice3A_51 = vector.extract_strided_slice %get3A_50 {offsets = [0, 0, 0], sizes = [192, 16, 112], strides = [1, 1, 1]} : vector<192x16x113xf32> to vector<192x16x112xf32>
    %reshape3A_52 = vector.shape_cast %slice3A_51 : vector<192x16x112xf32> to vector<192x1792xf32>
    %get3A_53 = arith.constant 1 : index
    %get3A_54 = arith.constant 0 : index
    %get3A_55 = arith.constant 0 : index
    %get3A_56 = arith.constant 0 : index
    %get3A_57 = vector.load %arg8[%get3A_53, %get3A_54, %get3A_55, %get3A_56] : memref<3x3x384x192xf32, #tpu.memory_space<vmem>>, vector<1x1x384x192xf32>
    %get3A_58 = vector.shape_cast %get3A_57 : vector<1x1x384x192xf32> to vector<384x192xf32>
    %dot_general3A_59 = arith.constant dense<0.000000e+00> : vector<384x1792xf32>
    %dot_general3A_60 = tpu.matmul %get3A_58, %reshape3A_52, %dot_general3A_59 {dimension_numbers = #tpu.dot_dimension_numbers<[1], [0], [0], [1], [0, 0, 1, 1], [], []>, transpose_lhs_hint = false} : vector<384x192xf32>, vector<192x1792xf32>, vector<384x1792xf32> -> vector<384x1792xf32>
    %add3A_61 = arith.addf %add3A_44, %dot_general3A_60 : vector<384x1792xf32>
    %get3A_62 = arith.constant 0 : index
    %get3A_63 = arith.constant 0 : index
    %get3A_64 = arith.constant 0 : index
    %get3A_65 = arith.constant 0 : index
    %get3A_66 = vector.load %arg5[%get3A_62, %get3A_63, %get3A_64, %get3A_65] : memref<1x192x16x113xf32, #tpu.memory_space<vmem>>, vector<1x192x16x113xf32>
    %get3A_67 = vector.shape_cast %get3A_66 : vector<1x192x16x113xf32> to vector<192x16x113xf32>
    %slice3A_68 = vector.extract_strided_slice %get3A_67 {offsets = [0, 0, 0], sizes = [192, 16, 112], strides = [1, 1, 1]} : vector<192x16x113xf32> to vector<192x16x112xf32>
    %reshape3A_69 = vector.shape_cast %slice3A_68 : vector<192x16x112xf32> to vector<192x1792xf32>
    %get3A_70 = arith.constant 1 : index
    %get3A_71 = arith.constant 1 : index
    %get3A_72 = arith.constant 0 : index
    %get3A_73 = arith.constant 0 : index
    %get3A_74 = vector.load %arg8[%get3A_70, %get3A_71, %get3A_72, %get3A_73] : memref<3x3x384x192xf32, #tpu.memory_space<vmem>>, vector<1x1x384x192xf32>
    %get3A_75 = vector.shape_cast %get3A_74 : vector<1x1x384x192xf32> to vector<384x192xf32>
    %dot_general3A_76 = arith.constant dense<0.000000e+00> : vector<384x1792xf32>
    %dot_general3A_77 = tpu.matmul %get3A_75, %reshape3A_69, %dot_general3A_76 {dimension_numbers = #tpu.dot_dimension_numbers<[1], [0], [0], [1], [0, 0, 1, 1], [], []>, transpose_lhs_hint = false} : vector<384x192xf32>, vector<192x1792xf32>, vector<384x1792xf32> -> vector<384x1792xf32>
    %add3A_78 = arith.addf %add3A_61, %dot_general3A_77 : vector<384x1792xf32>
    %get3A_79 = arith.constant 0 : index
    %get3A_80 = arith.constant 0 : index
    %get3A_81 = arith.constant 0 : index
    %get3A_82 = arith.constant 0 : index
    %get3A_83 = vector.load %arg4[%get3A_79, %get3A_80, %get3A_81, %get3A_82] : memref<1x192x16x113xf32, #tpu.memory_space<vmem>>, vector<1x192x16x113xf32>
    %get3A_84 = vector.shape_cast %get3A_83 : vector<1x192x16x113xf32> to vector<192x16x113xf32>
    %slice3A_85 = vector.extract_strided_slice %get3A_84 {offsets = [0, 0, 1], sizes = [192, 16, 112], strides = [1, 1, 1]} : vector<192x16x113xf32> to vector<192x16x112xf32>
    %reshape3A_86 = vector.shape_cast %slice3A_85 : vector<192x16x112xf32> to vector<192x1792xf32>
    %get3A_87 = arith.constant 1 : index
    %get3A_88 = arith.constant 2 : index
    %get3A_89 = arith.constant 0 : index
    %get3A_90 = arith.constant 0 : index
    %get3A_91 = vector.load %arg8[%get3A_87, %get3A_88, %get3A_89, %get3A_90] : memref<3x3x384x192xf32, #tpu.memory_space<vmem>>, vector<1x1x384x192xf32>
    %get3A_92 = vector.shape_cast %get3A_91 : vector<1x1x384x192xf32> to vector<384x192xf32>
    %dot_general3A_93 = arith.constant dense<0.000000e+00> : vector<384x1792xf32>
    %dot_general3A_94 = tpu.matmul %get3A_92, %reshape3A_86, %dot_general3A_93 {dimension_numbers = #tpu.dot_dimension_numbers<[1], [0], [0], [1], [0, 0, 1, 1], [], []>, transpose_lhs_hint = false} : vector<384x192xf32>, vector<192x1792xf32>, vector<384x1792xf32> -> vector<384x1792xf32>
    %add3A_95 = arith.addf %add3A_78, %dot_general3A_94 : vector<384x1792xf32>
    %get3A_96 = arith.constant 0 : index
    %get3A_97 = arith.constant 0 : index
    %get3A_98 = arith.constant 0 : index
    %get3A_99 = arith.constant 0 : index
    %get3A_100 = vector.load %arg2[%get3A_96, %get3A_97, %get3A_98, %get3A_99] : memref<1x192x16x113xf32, #tpu.memory_space<vmem>>, vector<1x192x16x113xf32>
    %get3A_101 = vector.shape_cast %get3A_100 : vector<1x192x16x113xf32> to vector<192x16x113xf32>
    %get3A_102 = arith.constant 0 : index
    %get3A_103 = arith.constant 0 : index
    %get3A_104 = arith.constant 0 : index
    %get3A_105 = arith.constant 0 : index
    %get3A_106 = vector.load %arg6[%get3A_102, %get3A_103, %get3A_104, %get3A_105] : memref<1x192x8x113xf32, #tpu.memory_space<vmem>>, vector<1x192x8x113xf32>
    %get3A_107 = vector.shape_cast %get3A_106 : vector<1x192x8x113xf32> to vector<192x8x113xf32>
    %slice3A_108 = vector.extract_strided_slice %get3A_101 {offsets = [0, 1, 0], sizes = [192, 15, 113], strides = [1, 1, 1]} : vector<192x16x113xf32> to vector<192x15x113xf32>
    %slice3A_109 = vector.extract_strided_slice %get3A_107 {offsets = [0, 0, 0], sizes = [192, 1, 113], strides = [1, 1, 1]} : vector<192x8x113xf32> to vector<192x1x113xf32>
    %concatenate3A = tpu.concatenate %slice3A_108, %slice3A_109 in 1 : vector<192x15x113xf32>, vector<192x1x113xf32> -> vector<192x16x113xf32>
    %slice3A_110 = vector.extract_strided_slice %concatenate3A {offsets = [0, 0, 0], sizes = [192, 16, 112], strides = [1, 1, 1]} : vector<192x16x113xf32> to vector<192x16x112xf32>
    %reshape3A_111 = vector.shape_cast %slice3A_110 : vector<192x16x112xf32> to vector<192x1792xf32>
    %get3A_112 = arith.constant 2 : index
    %get3A_113 = arith.constant 0 : index
    %get3A_114 = arith.constant 0 : index
    %get3A_115 = arith.constant 0 : index
    %get3A_116 = vector.load %arg8[%get3A_112, %get3A_113, %get3A_114, %get3A_115] : memref<3x3x384x192xf32, #tpu.memory_space<vmem>>, vector<1x1x384x192xf32>
    %get3A_117 = vector.shape_cast %get3A_116 : vector<1x1x384x192xf32> to vector<384x192xf32>
    %dot_general3A_118 = arith.constant dense<0.000000e+00> : vector<384x1792xf32>
    %dot_general3A_119 = tpu.matmul %get3A_117, %reshape3A_111, %dot_general3A_118 {dimension_numbers = #tpu.dot_dimension_numbers<[1], [0], [0], [1], [0, 0, 1, 1], [], []>, transpose_lhs_hint = false} : vector<384x192xf32>, vector<192x1792xf32>, vector<384x1792xf32> -> vector<384x1792xf32>
    %add3A_120 = arith.addf %add3A_95, %dot_general3A_119 : vector<384x1792xf32>
    %get3A_121 = arith.constant 0 : index
    %get3A_122 = arith.constant 0 : index
    %get3A_123 = arith.constant 0 : index
    %get3A_124 = arith.constant 0 : index
    %get3A_125 = vector.load %arg3[%get3A_121, %get3A_122, %get3A_123, %get3A_124] : memref<1x192x16x113xf32, #tpu.memory_space<vmem>>, vector<1x192x16x113xf32>
    %get3A_126 = vector.shape_cast %get3A_125 : vector<1x192x16x113xf32> to vector<192x16x113xf32>
    %get3A_127 = arith.constant 0 : index
    %get3A_128 = arith.constant 0 : index
    %get3A_129 = arith.constant 0 : index
    %get3A_130 = arith.constant 0 : index
    %get3A_131 = vector.load %arg7[%get3A_127, %get3A_128, %get3A_129, %get3A_130] : memref<1x192x8x113xf32, #tpu.memory_space<vmem>>, vector<1x192x8x113xf32>
    %get3A_132 = vector.shape_cast %get3A_131 : vector<1x192x8x113xf32> to vector<192x8x113xf32>
    %slice3A_133 = vector.extract_strided_slice %get3A_126 {offsets = [0, 1, 0], sizes = [192, 15, 113], strides = [1, 1, 1]} : vector<192x16x113xf32> to vector<192x15x113xf32>
    %slice3A_134 = vector.extract_strided_slice %get3A_132 {offsets = [0, 0, 0], sizes = [192, 1, 113], strides = [1, 1, 1]} : vector<192x8x113xf32> to vector<192x1x113xf32>
    %concatenate3A_135 = tpu.concatenate %slice3A_133, %slice3A_134 in 1 : vector<192x15x113xf32>, vector<192x1x113xf32> -> vector<192x16x113xf32>
    %slice3A_136 = vector.extract_strided_slice %concatenate3A_135 {offsets = [0, 0, 0], sizes = [192, 16, 112], strides = [1, 1, 1]} : vector<192x16x113xf32> to vector<192x16x112xf32>
    %reshape3A_137 = vector.shape_cast %slice3A_136 : vector<192x16x112xf32> to vector<192x1792xf32>
    %get3A_138 = arith.constant 2 : index
    %get3A_139 = arith.constant 1 : index
    %get3A_140 = arith.constant 0 : index
    %get3A_141 = arith.constant 0 : index
    %get3A_142 = vector.load %arg8[%get3A_138, %get3A_139, %get3A_140, %get3A_141] : memref<3x3x384x192xf32, #tpu.memory_space<vmem>>, vector<1x1x384x192xf32>
    %get3A_143 = vector.shape_cast %get3A_142 : vector<1x1x384x192xf32> to vector<384x192xf32>
    %dot_general3A_144 = arith.constant dense<0.000000e+00> : vector<384x1792xf32>
    %dot_general3A_145 = tpu.matmul %get3A_143, %reshape3A_137, %dot_general3A_144 {dimension_numbers = #tpu.dot_dimension_numbers<[1], [0], [0], [1], [0, 0, 1, 1], [], []>, transpose_lhs_hint = false} : vector<384x192xf32>, vector<192x1792xf32>, vector<384x1792xf32> -> vector<384x1792xf32>
    %add3A_146 = arith.addf %add3A_120, %dot_general3A_145 : vector<384x1792xf32>
    %get3A_147 = arith.constant 0 : index
    %get3A_148 = arith.constant 0 : index
    %get3A_149 = arith.constant 0 : index
    %get3A_150 = arith.constant 0 : index
    %get3A_151 = vector.load %arg2[%get3A_147, %get3A_148, %get3A_149, %get3A_150] : memref<1x192x16x113xf32, #tpu.memory_space<vmem>>, vector<1x192x16x113xf32>
    %get3A_152 = vector.shape_cast %get3A_151 : vector<1x192x16x113xf32> to vector<192x16x113xf32>
    %get3A_153 = arith.constant 0 : index
    %get3A_154 = arith.constant 0 : index
    %get3A_155 = arith.constant 0 : index
    %get3A_156 = arith.constant 0 : index
    %get3A_157 = vector.load %arg6[%get3A_153, %get3A_154, %get3A_155, %get3A_156] : memref<1x192x8x113xf32, #tpu.memory_space<vmem>>, vector<1x192x8x113xf32>
    %get3A_158 = vector.shape_cast %get3A_157 : vector<1x192x8x113xf32> to vector<192x8x113xf32>
    %slice3A_159 = vector.extract_strided_slice %get3A_152 {offsets = [0, 1, 0], sizes = [192, 15, 113], strides = [1, 1, 1]} : vector<192x16x113xf32> to vector<192x15x113xf32>
    %slice3A_160 = vector.extract_strided_slice %get3A_158 {offsets = [0, 0, 0], sizes = [192, 1, 113], strides = [1, 1, 1]} : vector<192x8x113xf32> to vector<192x1x113xf32>
    %concatenate3A_161 = tpu.concatenate %slice3A_159, %slice3A_160 in 1 : vector<192x15x113xf32>, vector<192x1x113xf32> -> vector<192x16x113xf32>
    %slice3A_162 = vector.extract_strided_slice %concatenate3A_161 {offsets = [0, 0, 1], sizes = [192, 16, 112], strides = [1, 1, 1]} : vector<192x16x113xf32> to vector<192x16x112xf32>
    %reshape3A_163 = vector.shape_cast %slice3A_162 : vector<192x16x112xf32> to vector<192x1792xf32>
    %get3A_164 = arith.constant 2 : index
    %get3A_165 = arith.constant 2 : index
    %get3A_166 = arith.constant 0 : index
    %get3A_167 = arith.constant 0 : index
    %get3A_168 = vector.load %arg8[%get3A_164, %get3A_165, %get3A_166, %get3A_167] : memref<3x3x384x192xf32, #tpu.memory_space<vmem>>, vector<1x1x384x192xf32>
    %get3A_169 = vector.shape_cast %get3A_168 : vector<1x1x384x192xf32> to vector<384x192xf32>
    %dot_general3A_170 = arith.constant dense<0.000000e+00> : vector<384x1792xf32>
    %dot_general3A_171 = tpu.matmul %get3A_169, %reshape3A_163, %dot_general3A_170 {dimension_numbers = #tpu.dot_dimension_numbers<[1], [0], [0], [1], [0, 0, 1, 1], [], []>, transpose_lhs_hint = false} : vector<384x192xf32>, vector<192x1792xf32>, vector<384x1792xf32> -> vector<384x1792xf32>
    %add3A_172 = arith.addf %add3A_146, %dot_general3A_171 : vector<384x1792xf32>
    %get3A_173 = arith.constant 0 : index
    %get3A_174 = arith.constant 0 : index
    %get3A_175 = vector.load %arg9[%get3A_173, %get3A_174] : memref<384x1xf32, #tpu.memory_space<vmem>>, vector<384x1xf32>
    %add3A_176 = vector.broadcast %get3A_175 : vector<384x1xf32> to vector<384x1792xf32>
    %add3A_177 = arith.addf %add3A_172, %add3A_176 : vector<384x1792xf32>
    %reshape3A_178 = vector.shape_cast %add3A_177 : vector<384x1792xf32> to vector<384x16x112xf32>
    %swap3A = arith.constant 0 : index
    %swap3A_179 = arith.constant 0 : index
    %swap3A_180 = arith.constant 0 : index
    %swap3A_181 = arith.constant 0 : index
    %swap3A_182 = vector.load %arg10[%swap3A, %swap3A_179, %swap3A_180, %swap3A_181] : memref<1x384x16x112xf32, #tpu.memory_space<vmem>>, vector<1x384x16x112xf32>
    %swap3A_183 = vector.shape_cast %swap3A_182 : vector<1x384x16x112xf32> to vector<384x16x112xf32>
    %swap3A_184 = vector.shape_cast %reshape3A_178 : vector<384x16x112xf32> to vector<1x384x16x112xf32>
    tpu.vector_store %arg10[%swap3A, %swap3A_179, %swap3A_180, %swap3A_181], %swap3A_184 {strides = array<i32>} : memref<1x384x16x112xf32, #tpu.memory_space<vmem>>, vector<1x384x16x112xf32>,
    return
  }
  func.func @transform_0(%arg0: i32, %arg1: i32) -> (i32, i32, i32, i32) {
    %c0_i32 = arith.constant 0 : i32
    %c0_i32_0 = arith.constant 0 : i32
    %c0_i32_1 = arith.constant 0 : i32
    return %arg0, %c0_i32, %arg1, %c0_i32_0 : i32, i32, i32, i32
  }
  func.func @transform_1(%arg0: i32, %arg1: i32) -> (i32, i32, i32, i32) {
    %c0_i32 = arith.constant 0 : i32
    %c0_i32_0 = arith.constant 0 : i32
    %c0_i32_1 = arith.constant 0 : i32
    return %arg0, %c0_i32, %arg1, %c0_i32_0 : i32, i32, i32, i32
  }
  func.func @transform_2(%arg0: i32, %arg1: i32) -> (i32, i32, i32, i32) {
    %c0_i32 = arith.constant 0 : i32
    %c0_i32_0 = arith.constant 0 : i32
    %c0_i32_1 = arith.constant 0 : i32
    return %arg0, %c0_i32, %arg1, %c0_i32_0 : i32, i32, i32, i32
  }
  func.func @transform_3(%arg0: i32, %arg1: i32) -> (i32, i32, i32, i32) {
    %c0_i32 = arith.constant 0 : i32
    %c0_i32_0 = arith.constant 0 : i32
    %c0_i32_1 = arith.constant 0 : i32
    return %arg0, %c0_i32, %arg1, %c0_i32_0 : i32, i32, i32, i32
  }
  func.func @transform_4(%arg0: i32, %arg1: i32) -> (i32, i32, i32, i32) {
    %mul3A = arith.constant 2 : i32
    %mul3A_0 = arith.muli %mul3A, %arg1 : i32
    %add3A = arith.constant 2 : i32
    %add3A_1 = arith.addi %mul3A_0, %add3A : i32
    %c0_i32 = arith.constant 0 : i32
    %c0_i32_2 = arith.constant 0 : i32
    %c0_i32_3 = arith.constant 0 : i32
    return %arg0, %c0_i32, %add3A_1, %c0_i32_2 : i32, i32, i32, i32
  }
  func.func @transform_5(%arg0: i32, %arg1: i32) -> (i32, i32, i32, i32) {
    %mul3A = arith.constant 2 : i32
    %mul3A_0 = arith.muli %mul3A, %arg1 : i32
    %add3A = arith.constant 2 : i32
    %add3A_1 = arith.addi %mul3A_0, %add3A : i32
    %c0_i32 = arith.constant 0 : i32
    %c0_i32_2 = arith.constant 0 : i32
    %c0_i32_3 = arith.constant 0 : i32
    return %arg0, %c0_i32, %add3A_1, %c0_i32_2 : i32, i32, i32, i32
  }
  func.func @transform_6(%arg0: i32, %arg1: i32) -> (i32, i32, i32, i32) {
    %c0_i32 = arith.constant 0 : i32
    %c0_i32_0 = arith.constant 0 : i32
    %c0_i32_1 = arith.constant 0 : i32
    %c0_i32_2 = arith.constant 0 : i32
    %c0_i32_3 = arith.constant 0 : i32
    return %c0_i32, %c0_i32_0, %c0_i32_1, %c0_i32_2 : i32, i32, i32, i32
  }
  func.func @transform_7(%arg0: i32, %arg1: i32) -> (i32, i32) {
    %c0_i32 = arith.constant 0 : i32
    %c0_i32_0 = arith.constant 0 : i32
    %c0_i32_1 = arith.constant 0 : i32
    return %c0_i32, %c0_i32_0 : i32, i32
  }
  func.func @transform_8(%arg0: i32, %arg1: i32) -> (i32, i32, i32, i32) {
    %c0_i32 = arith.constant 0 : i32
    %c0_i32_0 = arith.constant 0 : i32
    %c0_i32_1 = arith.constant 0 : i32
    return %arg0, %c0_i32, %arg1, %c0_i32_0 : i32, i32, i32, i32
  }
}

module attributes {stable_mosaic.version = 14 : i64} {
  func.func @_final_kernel(%arg0: i32, %arg1: i32, %arg2: memref<1x384x16x112xf32, #tpu.memory_space<vmem>>, %arg3: memref<1x384x16x112xf32, #tpu.memory_space<vmem>>, %arg4: memref<1x64x8xf32, #tpu.memory_space<vmem>>, %arg5: memref<384x1xf32, #tpu.memory_space<vmem>>, %arg6: memref<384x1xf32, #tpu.memory_space<vmem>>, %arg7: memref<1x384x16x112xf32, #tpu.memory_space<vmem>>) attributes {dimension_semantics = [#tpu.dimension_semantics<arbitrary>, #tpu.dimension_semantics<arbitrary>], iteration_bounds = array<i64: 2, 7>, scalar_prefetch = 0 : i64, scratch_operands = 0 : i64, tpu.core_type = #tpu.core_type<tc>, window_params = [{transform_indices = @transform_0, window_bounds = array<i64: 1, 384, 16, 112>}, {transform_indices = @transform_1, window_bounds = array<i64: 1, 384, 16, 112>}, {transform_indices = @transform_2, window_bounds = array<i64: 1, 64, 8>}, {pipeline_mode = #tpu.pipeline_mode<synchronous>, transform_indices = @transform_3, window_bounds = array<i64: 384, 1>}, {pipeline_mode = #tpu.pipeline_mode<synchronous>, transform_indices = @transform_4, window_bounds = array<i64: 384, 1>}, {transform_indices = @transform_5, window_bounds = array<i64: 1, 384, 16, 112>}]} {
    %get3A = arith.constant 0 : index
    %get3A_0 = arith.constant 0 : index
    %get3A_1 = arith.constant 0 : index
    %get3A_2 = vector.load %arg4[%get3A, %get3A_0, %get3A_1] : memref<1x64x8xf32, #tpu.memory_space<vmem>>, vector<1x64x1xf32>
    %get3A_3 = vector.shape_cast %get3A_2 : vector<1x64x1xf32> to vector<64xf32>
    %reduce_sum3A = vector.shape_cast %get3A_3 : vector<64xf32> to vector<1x64xf32>
    %reduce_sum3A_4 = arith.constant dense<0.000000e+00> : vector<1xf32>
    %reduce_sum3A_5 = vector.multi_reduction <add>, %reduce_sum3A, %reduce_sum3A_4 [1] : vector<1x64xf32> to vector<1xf32>
    %reduce_sum3A_6 = vector.shape_cast %reduce_sum3A_5 : vector<1xf32> to vector<1x1xf32>
    %reduce_sum3A_7 = vector.extract %reduce_sum3A_6[0, 0] : f32 from vector<1x1xf32>
    %get3A_8 = arith.constant 0 : index
    %get3A_9 = arith.constant 0 : index
    %get3A_10 = arith.constant 1 : index
    %get3A_11 = vector.load %arg4[%get3A_8, %get3A_9, %get3A_10] : memref<1x64x8xf32, #tpu.memory_space<vmem>>, vector<1x64x1xf32>
    %get3A_12 = vector.shape_cast %get3A_11 : vector<1x64x1xf32> to vector<64xf32>
    %reduce_sum3A_13 = vector.shape_cast %get3A_12 : vector<64xf32> to vector<1x64xf32>
    %reduce_sum3A_14 = arith.constant dense<0.000000e+00> : vector<1xf32>
    %reduce_sum3A_15 = vector.multi_reduction <add>, %reduce_sum3A_13, %reduce_sum3A_14 [1] : vector<1x64xf32> to vector<1xf32>
    %reduce_sum3A_16 = vector.shape_cast %reduce_sum3A_15 : vector<1xf32> to vector<1x1xf32>
    %reduce_sum3A_17 = vector.extract %reduce_sum3A_16[0, 0] : f32 from vector<1x1xf32>
    %div3A = arith.constant 0x4A930000 : f32
    %div3A_18 = arith.divf %reduce_sum3A_7, %div3A : f32
    %div3A_19 = arith.constant 0x4A930000 : f32
    %div3A_20 = arith.divf %reduce_sum3A_17, %div3A_19 : f32
    %mul3A = arith.mulf %div3A_18, %div3A_18 : f32
    %sub3A = arith.subf %div3A_20, %mul3A : f32
    %add3A = arith.constant 9.99999974E-6 : f32
    %add3A_21 = arith.addf %sub3A, %add3A : f32
    %rsqrt3A = math.rsqrt %add3A_21 : f32
    %get3A_22 = arith.constant 0 : index
    %get3A_23 = arith.constant 0 : index
    %get3A_24 = vector.load %arg5[%get3A_22, %get3A_23] : memref<384x1xf32, #tpu.memory_space<vmem>>, vector<384x1xf32>
    %reshape3A = vector.shape_cast %get3A_24 : vector<384x1xf32> to vector<384x1x1xf32>
    %get3A_25 = arith.constant 0 : index
    %get3A_26 = arith.constant 0 : index
    %get3A_27 = vector.load %arg6[%get3A_25, %get3A_26] : memref<384x1xf32, #tpu.memory_space<vmem>>, vector<384x1xf32>
    %reshape3A_28 = vector.shape_cast %get3A_27 : vector<384x1xf32> to vector<384x1x1xf32>
    %get3A_29 = arith.constant 0 : index
    %get3A_30 = arith.constant 0 : index
    %get3A_31 = arith.constant 0 : index
    %get3A_32 = arith.constant 0 : index
    %get3A_33 = vector.load %arg2[%get3A_29, %get3A_30, %get3A_31, %get3A_32] : memref<1x384x16x112xf32, #tpu.memory_space<vmem>>, vector<1x384x16x112xf32>
    %get3A_34 = vector.shape_cast %get3A_33 : vector<1x384x16x112xf32> to vector<384x16x112xf32>
    %sub3A_35 = vector.broadcast %div3A_18 : f32 to vector<384x16x112xf32>
    %sub3A_36 = arith.subf %get3A_34, %sub3A_35 : vector<384x16x112xf32>
    %mul3A_37 = vector.broadcast %rsqrt3A : f32 to vector<384x16x112xf32>
    %mul3A_38 = arith.mulf %sub3A_36, %mul3A_37 : vector<384x16x112xf32>
    %mul3A_39 = vector.broadcast %reshape3A : vector<384x1x1xf32> to vector<384x16x112xf32>
    %mul3A_40 = arith.mulf %mul3A_38, %mul3A_39 : vector<384x16x112xf32>
    %add3A_41 = vector.broadcast %reshape3A_28 : vector<384x1x1xf32> to vector<384x16x112xf32>
    %add3A_42 = arith.addf %mul3A_40, %add3A_41 : vector<384x16x112xf32>
    %get3A_43 = arith.constant 0 : index
    %get3A_44 = arith.constant 0 : index
    %get3A_45 = arith.constant 0 : index
    %get3A_46 = arith.constant 0 : index
    %get3A_47 = vector.load %arg3[%get3A_43, %get3A_44, %get3A_45, %get3A_46] : memref<1x384x16x112xf32, #tpu.memory_space<vmem>>, vector<1x384x16x112xf32>
    %get3A_48 = vector.shape_cast %get3A_47 : vector<1x384x16x112xf32> to vector<384x16x112xf32>
    %add3A_49 = arith.addf %add3A_42, %get3A_48 : vector<384x16x112xf32>
    %swap3A = arith.constant 0 : index
    %swap3A_50 = arith.constant 0 : index
    %swap3A_51 = arith.constant 0 : index
    %swap3A_52 = arith.constant 0 : index
    %swap3A_53 = vector.load %arg7[%swap3A, %swap3A_50, %swap3A_51, %swap3A_52] : memref<1x384x16x112xf32, #tpu.memory_space<vmem>>, vector<1x384x16x112xf32>
    %swap3A_54 = vector.shape_cast %swap3A_53 : vector<1x384x16x112xf32> to vector<384x16x112xf32>
    %swap3A_55 = vector.shape_cast %add3A_49 : vector<384x16x112xf32> to vector<1x384x16x112xf32>
    tpu.vector_store %arg7[%swap3A, %swap3A_50, %swap3A_51, %swap3A_52], %swap3A_55 {strides = array<i32>} : memref<1x384x16x112xf32, #tpu.memory_space<vmem>>, vector<1x384x16x112xf32>,
    return
  }
  func.func @transform_0(%arg0: i32, %arg1: i32) -> (i32, i32, i32, i32) {
    %c0_i32 = arith.constant 0 : i32
    %c0_i32_0 = arith.constant 0 : i32
    %c0_i32_1 = arith.constant 0 : i32
    return %arg0, %c0_i32, %arg1, %c0_i32_0 : i32, i32, i32, i32
  }
  func.func @transform_1(%arg0: i32, %arg1: i32) -> (i32, i32, i32, i32) {
    %c0_i32 = arith.constant 0 : i32
    %c0_i32_0 = arith.constant 0 : i32
    %c0_i32_1 = arith.constant 0 : i32
    return %arg0, %c0_i32, %arg1, %c0_i32_0 : i32, i32, i32, i32
  }
  func.func @transform_2(%arg0: i32, %arg1: i32) -> (i32, i32, i32) {
    %c0_i32 = arith.constant 0 : i32
    %c0_i32_0 = arith.constant 0 : i32
    %c0_i32_1 = arith.constant 0 : i32
    return %arg0, %c0_i32, %c0_i32_0 : i32, i32, i32
  }
  func.func @transform_3(%arg0: i32, %arg1: i32) -> (i32, i32) {
    %c0_i32 = arith.constant 0 : i32
    %c0_i32_0 = arith.constant 0 : i32
    %c0_i32_1 = arith.constant 0 : i32
    return %c0_i32, %c0_i32_0 : i32, i32
  }
  func.func @transform_4(%arg0: i32, %arg1: i32) -> (i32, i32) {
    %c0_i32 = arith.constant 0 : i32
    %c0_i32_0 = arith.constant 0 : i32
    %c0_i32_1 = arith.constant 0 : i32
    return %c0_i32, %c0_i32_0 : i32, i32
  }
  func.func @transform_5(%arg0: i32, %arg1: i32) -> (i32, i32, i32, i32) {
    %c0_i32 = arith.constant 0 : i32
    %c0_i32_0 = arith.constant 0 : i32
    %c0_i32_1 = arith.constant 0 : i32
    return %arg0, %c0_i32, %arg1, %c0_i32_0 : i32, i32, i32, i32
  }
}

</mosaic_0001>

<sc_bundles>
// kernel: sparse-core-data-format-call.cloned.1.call-start
scs
called_computation_lowered:
.L_overlay_start_0:
0x0: {  	s2 =	sld [smem:$0x3FD9]  }
0x1: {  	s3 =	sld [smem:$0x3FFE];
	_ =	sdelay $0x1  }
0x2: {  	s1 =	srdreg.scid  }
0x3: {  	s0 =	sand.u32 $0x1, s1  }
0x4: {  	s18 =	sshll.u32 s0, $0xA;
	s2 =	sadd.s32 s3, s2  }
0x5: {  	s2 =	sadd.s32 s2, s18  }
0x6: {  	[smem:$0x3FBF] =	sst s2  }
0x7: {  	_ = 	snop  }
0x8: {  	s2 =	sld [smem:$0x3FD0];
	(tm) =	ssettm $0x1  }
0x9: {  	s19 =	sld [smem:$0x3FFB];
	_ =	sdelay $0x3  }
0xa: {  	_ =	strace s19  }
0xb: {  	s3 =	sld [smem:$0x3FFC];
	_ =	sdelay $0x3  }
0xc: {  	_ =	strace s3  }
0xd: {  	s3 =	sld [smem:$0x3FFD];
	_ =	sdelay $0x3  }
0xe: {  	_ =	strace s3  }
0xf: {  	_ =	strace $0x8FFFFFFF  }
0x10: {  	s20 =	sld [smem:$0x3FDB];
	_ =	sdelay $0x1  }
0x11: {  	s4 =	simm.s32 $_scs_section_size  }
0x12: {  	s5 =	simm.s32 $_size__tile_overlayer_lowered;
	s6 =	simm.s32 $_tile_overlayer_lowered  }
0x13: {  	s23 =	simm.s32 $0x1BFF;
	s22 =	sshll.u32 s6, $0x1;
	s3 =	sadd.s32 s4, s20  }
0x14: {  	s7 =	simm.s32 $0x0;
	s21 =	sshll.u32 s5, $0x1;
	s5 =	sadd.s32 s22, s3  }
0x15: {  	[timem:s7], [sflag:s23] =	dma.local [hbm:s5], s21  }
0x16: {  	_ =	swait.ge [sflag:s23], s21  }
0x17: {  	s4 =	ssub.s32 $0x0, s21;
	[sflag:s23] =	ssyncset.done $0x0  }
0x18: {  	[sflag:s23] =	ssyncadd.s32 s4;
	_ =	sdelay $0x1  }
0x19: {  	s24 =	simm.s32 $0x1B8B  }
0x1a: {  	_ =	swait.ge [sflag:s24], $0x1  }
0x1b: {  	[sflag:s24] =	ssyncset.done $0x0  }
0x1c: {  	s26 =	simm.s32 $0x1B8E;
	s25 =	sld [smem:$0x3FFE];
	[sflag:s24] =	ssyncadd.s32 $0xFFFFFFFF  }
0x1d: {  	s27 =	simm.s32 $execute0_lowered;
	[smem:$0x3FD2] =	sst s26  }
0x1e: {  	s5 =	sshll.u32 s27, $0x1;
	_ =	strace $0x80000046;
	[dreg:$0x1] =	wrdreg $0xFFFFFFFF  }
0x1f: {  	s28 =	simm.s32 $_size_execute0_lowered;
	s3 =	sadd.s32 s3, s5;
	[dreg:$0x0] =	wrdreg $0x0  }
0x20: {  	s5 =	sshll.u32 s28, $0x1;
	[dreg:$0x2] =	wrdreg s3  }
0x21: {  	[dreg:$0x3] =	wrdreg s5  }
0x22: {  	[dreg:$0x4] =	wrdreg $0xC0  }
0x23: {  	_ =	task [dreg:s7], $0x5FFFF  }
0x24: {  	[dreg:$0x1] =	wrdreg $0xFFFFFFFF  }
0x25: {  	[dreg:$0x0] =	wrdreg $0x60  }
0x26: {  	[dreg:$0x2] =	wrdreg s2  }
0x27: {  	[dreg:$0x3] =	wrdreg s25  }
0x28: {  	[dreg:$0x4] =	wrdreg $0x9  }
0x29: {  	_ =	task.clear_ibuf [dreg:s7], $0x5FFFF;
	_ =	strace $0x90000046  }
0x2a: {  	s29 =	simm.s32 $0x9;
	_ =	strace $0x80000048  }
0x2b: {  	_ =	swait.ge [sflag:s29], $0x1  }
0x2c: {  	[sflag:s29] =	ssyncadd.s32 $0xFFFFFFFF  }
0x2d: {  	_ =	strace $0x90000048  }
0x2e: {  	_ =	sfence  }
0x2f: {  	s30 =	sld [smem:$0x0];
	_ =	sdelay $0x2  }
0x30: {  	s31 =	sshll.u32 s1, $0xD;
	s1 =	sshrl.u32 s1, $0x2  }
0x31: {  	s3 =	sand.u32 $0x4000, s31;
	s1 =	sadd.s32 s1, s30  }
0x32: {  	s0 =	sor.u32 s3, s0;
	s1 =	sshll.u32 s1, $0x11  }
0x33: {  	s0 =	sor.u32 s1, s0  }
0x34: {  	s0 =	sadd.s32 $0x8F2B, s0  }
0x35: {  	[sflag:s0] =	ssyncadd.remote.s32 $0x1  }
0x36: {  	_ =	sfence.sel $0xFFFF  }
0x37: {  	[dreg:$0x0] =	wrdreg $0xFFFFFFFF;
	(pc) =	sbr.abs _section_cstart, $3  }
0x38: {  	[dreg:$0x1] =	wrdreg $0xFFFFFFFF  }
0x39: {  	_ =	task.clear_ibuf [dreg:s7], $0x2FFFF;
	_ =	strace $0x9FFFFFFF  }
0x3a: {  	(tm) =	ssettm $0x7FFFFFFF  }
0x3b: {  	_ =	shalt  }
tec
execute0_lowered:
.L_overlay_start_1:
0x0: {  	(tag) =	ssettag $0x1  }
0x1: {  	s5 =	stileid.u32;
	s1 =	rddreg [dreg:$0x1]  }
0x2: {  	s22 =	srdreg.scid;
	_ =	strace $0x80000047;
	s24 =	simm.s32 $0x1  }
0x3: {  	s26 =	simm.s32 $0x2;
	s27 =	simm.s32 $0x0;
	s8 =	simm.s32 $0x0  }
0x4: {  	s30 =	simm.s32 $0x0;
	s31 =	simm.s32 $0x0;
	s28 =	simm.s32 $0x0  }
0x5: {  	s29 =	simm.s32 $0x0;
	s14 =	simm.s32 $0x0;
	s15 =	simm.s32 $0x0  }
0x6: {  	s16 =	simm.s32 $0x0;
	s18 =	simm.s32 $0x0;
	s17 =	simm.s32 $0x0  }
0x7: {  	s19 =	simm.s32 $0x0;
	s9 =	sand.u32 $0x1, s5;
	s0 =	sshrl.u32 s5, $0x1  }
0x8: {  	s1 =	sadd.s32 $0x1C00, s1;
	s23 =	sshll.u32 s22, $0x4;
	[sflag:s24] =	ssyncpa.u1 $0x0  }
0x9: {  	s24 =	simm.s32 $0x0;
	s10 =	sand.u32 $0x1, s0;
	s20 =	ssub.s32 $0xE, s9  }
0xa: {  	[dreg:$0x5] =	wrdreg s1;
	s2 =	sshrl.u32 s20, $0x1;
	s3 =	ssub.s32 $0x2, s10  }
0xb: {  	s0 =	sand.u32 $0x1, s20;
	s4 =	sshrl.u32 s3, $0x1;
	s3 =	sand.u32 $0x1, s3  }
0xc: {  	s1 =	sand.u32 $0x10, s23;
	s0 =	sadd.s32 s0, s2;
	s21 =	sadd.s32 s3, s4  }
0xd: {  	[sflag:s26] =	ssyncpa.u1 $0x0;
	s26 =	simm.s32 $0x0;
	s0 =	smul.u32 s21, s0  }
.Ltmp0:
0xe: {  	[dreg:$0x3] =	wrdreg s9;
	s25 =	sor.u32 s5, s1;
	(pc) =	sbr.rel .LBB1_1-.Ltmp0, $4  }
0xf: {  	[dreg:$0x4] =	wrdreg s10;
	s12 =	sshrl.u32 s25, $0x2;
	s11 =	smul.u32 $0x3, s0  }
0x10: {  	s22 =	smov.u32 s9;
	s23 =	simm.s32 $0x0;
	[dreg:$0x7] =	wrdreg s12  }
0x11: {  	s25 =	simm.s32 $0x0;
	s13 =	sadd.s32 $0x1, s11;
	[dreg:$0x6] =	wrdreg s11  }
0x12: {  	s20 =	smov.u32 s12;
	s21 =	smov.u32 s10;
	[dreg:$0x8] =	wrdreg s13  }
.LBB1_18:
0x13: {  	s18 =	rddreg [dreg:$0xc]  }
0x14: {  	s14 =	rddreg [dreg:$0x9]  }
0x15: {  	s26 =	rddreg [dreg:$0xe];
	s0 =	sshrl.u32 s18, $0x1  }
0x16: {  	s25 =	rddreg [dreg:$0xd];
	s1 =	sshll.u32 s14, $0x1;
	s0 =	smul.u32 $0x300, s0  }
0x17: {  	s16 =	rddreg [dreg:$0xb];
	s3 =	sshll.u32 s18, $0x7;
	s1 =	sand.u32 $0xFFFFFF00, s1  }
0x18: {  	s15 =	rddreg [dreg:$0xa];
	s5 =	sand.u32 $0x80, s3;
	s0 =	sadd.s32 s0, s1  }
0x19: {  	s6 =	sand.u32 $0x7F, s14;
	s4 =	smul.u32 $0x2A00, s26;
	s0 =	sor.u32 s5, s0  }
0x1a: {  	s13 =	rddreg [dreg:$0x12];
	s1 =	sor.u32 s6, s0;
	s0 =	smulhi.u32 $0xAAAAAAAB, s0  }
0x1b: {  	s2 =	sor.u32 $0x8000, s2;
	s27 =	rddreg [dreg:$0xf];
	s3 =	smulhi.u32 $0xAAAAAAAB, s1  }
0x1c: {  	s12 =	simm.s32 $0x2A00;
	s31 =	rddreg [dreg:$0x10];
	s7 =	smul.u32 $0x60, s25  }
0x1d: {  	s8 =	smul.u32 $0x540, s15;
	s0 =	sshrl.u32 s0, $0x8;
	s3 =	sshrl.u32 s3, $0x8  }
0x1e: {  	s6 =	rddreg [dreg:$0x5];
	s0 =	sand.u32 $0x1, s0;
	s3 =	smul.u32 $0x180, s3  }
0x1f: {  	s5 =	smul.u32 $0x24C00, s16;
	s4 =	sadd.s32 s6, s4;
	p0 =	seq.s32 s0, $0x1  }
0x20: {  	s0 =	simm.s32 $0x30;
	s1 =	ssub.s32 s1, s3;
	s3 =	sadd.s32 s7, s4  }
0x21: {  	s0 =	simm.s32 @!p0 $0x0;
	s3 =	sadd.s32 s5, s3;
	s9 =	sand.u32 $0x7, s1  }
0x22: {  	s3 =	sadd.s32 s8, s3;
	s10 =	sshll.u32 s9, $0x12;
	s9 =	rddreg [dreg:$0x3]  }
0x23: {  	s1 =	sshrl.u32 s1, $0x3;
	s8 =	rddreg [dreg:$0x11];
	s0 =	sadd.s32 s0, s3  }
0x24: {  	s11 =	sor.u32 $0x80, s10;
	s10 =	rddreg [dreg:$0x4];
	s0 =	sadd.s32 s1, s0  }
0x25: {  	[hbm4b:s0+s11] =	stream.strided.scatter [tilespmem:s2], [sflag:$0x2], s13, s12, s11, $0x38;
	[tilespmem:$0x10000] =	vst v63  }
0x26: {  	s11 =	rddreg [dreg:$0x6]  }
0x27: {  	s12 =	rddreg [dreg:$0x7]  }
0x28: {  	s13 =	rddreg [dreg:$0x8]  }
.LBB1_19:
0x29: {  	p0 =	slt.u32 s24, $0x2  }
0x2a: {  	s0 =	smov.u32 s30;
	s2 =	smov.u32 s29;
	s5 =	smov.u32 s31  }
0x2b: {  	s7 =	smov.u32 s19;
	p1 =	sgt.s32 @!p0 s30, $0x7;
	s1 =	sshra.s32 @!p0 s30, $0x1F  }
0x2c: {  	s3 =	sshra.s32 @!p0 s29, $0x1F;
	s4 =	sshra.s32 @!p0 s28, $0x1F;
	s6 =	sshra.s32 @!p0 s27, $0x1F  }
0x2d: {  	p1 =	por !p1, p0;
	s1 =	sand.u32 @!p0 s1, s30;
	s4 =	sand.u32 @!p0 s4, s28  }
0x2e: {  	s6 =	sand.u32 @!p0 s6, s27;
	s0 =	simm.s32 @p1 $0x7;
	p1 =	sgt.s32 @!p0 s29, $0xFFFFFFFE  }
0x2f: {  	s30 =	smov.u32 s16;
	s0 =	ssub.s32 @!p0 s0, s1;
	p1 =	por !p1, p0  }
0x30: {  	s16 =	smov.u32 s20;
	s1 =	sadd.s32 @!p0 $0xFFFFFFF9, s0;
	s2 =	simm.s32 @p1 $0xFFFFFFFE  }
0x31: {  	s0 =	ssub.s32 @!p0 $0x8, s0;
	p2 =	sgt.s32 @!p0 s1, $0x0;
	s1 =	sand.u32 @!p0 s3, s29  }
0x32: {  	s3 =	smov.u32 s28;
	s29 =	smov.u32 s26;
	s26 =	smov.u32 s23  }
0x33: {  	p1 =	por !p2, p0;
	s1 =	ssub.s32 @!p0 s2, s1;
	p2 =	sgt.s32 @!p0 s28, $0xD  }
0x34: {  	s28 =	smov.u32 s25;
	s25 =	smov.u32 s22;
	s0 =	simm.s32 @!p1 $0x0  }
0x35: {  	s2 =	sadd.s32 @!p0 $0x2, s1;
	p2 =	por !p2, p0;
	s1 =	ssub.s32 @!p0 $0xE, s1  }
0x36: {  	p1 =	sgt.s32 @!p0 s2, $0xF;
	s2 =	ssub.s32 @!p0 $0x0, s8;
	s3 =	simm.s32 @p2 $0xD  }
0x37: {  	s2 =	smin.u32 @!p0 s8, s2;
	p1 =	por !p1, p0;
	s3 =	ssub.s32 @!p0 s3, s4  }
0x38: {  	s8 =	smov.u32 s15;
	s15 =	smov.u32 s19;
	p2 =	sgt.s32 @!p0 s2, $0x7  }
0x39: {  	s2 =	ssub.s32 @!p0 $0x8, s2;
	s4 =	sadd.s32 @!p0 $0xFFFFFFF3, s3;
	s1 =	simm.s32 @!p1 $0x0  }
0x3a: {  	s3 =	ssub.s32 @!p0 $0xE, s3;
	p2 =	por !p2, p0;
	p1 =	sgt.s32 @!p0 s4, $0x0  }
0x3b: {  	s4 =	sshra.s32 @!p0 s31, $0x1F;
	s2 =	simm.s32 @!p2 $0x0;
	p2 =	sgt.s32 @!p0 s31, $0x1  }
0x3c: {  	p1 =	por !p1, p0;
	s4 =	sand.u32 @!p0 s4, s31;
	p2 =	por !p2, p0  }
0x3d: {  	s4 =	sxor.u32 @!p0 $0xFFFFFFFF, s4;
	s5 =	simm.s32 @p2 $0x1;
	p2 =	sgt.s32 @!p0 s27, $0x100  }
0x3e: {  	s4 =	sadd.s32 @!p0 s4, s5;
	p2 =	por !p2, p0;
	s5 =	smov.u32 s27  }
0x3f: {  	s3 =	simm.s32 @!p1 $0x0;
	s5 =	simm.s32 @p2 $0x100;
	p2 =	sgt.s32 @!p0 s4, $0x0  }
0x40: {  	s1 =	smul.u32 @!p0 s1, s3;
	s4 =	ssub.s32 @!p0 $0x1, s4;
	p2 =	por !p2, p0  }
0x41: {  	s3 =	sadd.s32 $0x80, s17;
	s5 =	ssub.s32 @!p0 s5, s6;
	s4 =	simm.s32 @!p2 $0x0  }
0x42: {  	s6 =	sadd.s32 @!p0 $0xFFFFFF00, s5;
	s5 =	ssub.s32 @!p0 $0x180, s5;
	p2 =	sgt.s32 s3, $0x17F  }
0x43: {  	p1 =	sgt.s32 @!p0 s6, $0x7F;
	s6 =	sadd.s32 $0x8, s19;
	s1 =	smul.u32 @!p0 s4, s1  }
0x44: {  	s4 =	sadd.s32 $0x8, s20;
	p1 =	por !p1, p0;
	s7 =	smov.u32 @p2 s6  }
0x45: {  	s6 =	smov.u32 s20;
	s5 =	simm.s32 @!p1 $0x0;
	p1 =	sgt.s32 s7, $0x7  }
0x46: {  	s3 =	simm.s32 @p2 $0x0;
	s0 =	smul.u32 @!p0 s0, s1;
	s6 =	smov.u32 @p1 s4  }
0x47: {  	s1 =	sadd.s32 $0x2, s21;
	s4 =	smov.u32 s21;
	p2 =	sgt.s32 s6, $0x7  }
0x48: {  	s7 =	simm.s32 @p1 $0x0;
	s0 =	smul.u32 @!p0 s2, s0;
	s4 =	smov.u32 @p2 s1  }
0x49: {  	s2 =	smov.u32 s22;
	s1 =	sadd.s32 $0x2, s22;
	p1 =	sgt.s32 s4, $0x1  }
0x4a: {  	s6 =	smov.u32 @p2 s12;
	s0 =	smul.u32 @!p0 s5, s0;
	s2 =	smov.u32 @p1 s1  }
0x4b: {  	s5 =	smov.u32 s23;
	s1 =	sadd.s32 $0x10, s23;
	p2 =	sgt.s32 s2, $0xD  }
0x4c: {  	s31 =	smov.u32 s18;
	s18 =	smov.u32 s21;
	s5 =	smov.u32 @p2 s1  }
0x4d: {  	s27 =	smov.u32 s14;
	s4 =	smov.u32 @p1 s10;
	p1 =	sgt.s32 s5, $0xD  }
0x4e: {  	s14 =	smov.u32 s17;
	s5 =	simm.s32 @p1 $0x0;
	p1 =	sne.s32 s24, s13  }
.Ltmp1:
0x4f: {  	s17 =	smov.u32 s3;
	s19 =	smov.u32 s7;
	(pc) =	sbr.rel @!p1 .LBB1_20-.Ltmp1, $4  }
0x50: {  	s20 =	smov.u32 s6;
	s0 =	sand.u32 @!p0 $0x3FFFFFFF, s0;
	s1 =	simm.s32 @!p0 $0x2  }
0x51: {  	s21 =	smov.u32 s4;
	s2 =	smov.u32 @p2 s9;
	_ =	swait.ge @!p0 [sflag:s1], s0  }
0x52: {  	s0 =	ssub.s32 @!p0 $0x0, s0;
	s22 =	smov.u32 s2;
	[sflag:s1] =	ssyncset.done @!p0 $0x0  }
0x53: {  	s24 =	sadd.s32 $0x1, s24;
	[sflag:s1] =	ssyncadd.s32 @!p0 s0;
	s23 =	smov.u32 s5  }
.LBB1_1:
0x54: {  	p0 =	sge.u32 s24, s11  }
.Ltmp2:
0x55: {  	_ = 	snop;
	(pc) =	sbr.rel @p0 .LBB1_3-.Ltmp2, $1  }
0x56: {  	_ =	sdelay $0x3  }
0x57: {  	s0 =	sshrl.u32 s19, $0x3;
	s1 =	sshll.u32 s17, $0x3;
	s2 =	sshll.u32 s19, $0x7  }
0x58: {  	s6 =	sxor.u32 $0xFFFFFFFF, s24;
	s3 =	sand.u32 $0x7F, s17;
	s0 =	smul.u32 $0xC00, s0  }
0x59: {  	p0 =	sgt.s32 s23, $0xFFFFFFFE;
	s7 =	sshra.s32 s22, $0x1F;
	s1 =	sand.u32 $0xFFFFFC00, s1  }
0x5a: {  	s5 =	sand.u32 $0x380, s2;
	s0 =	sadd.s32 s0, s1;
	s1 =	sshll.u32 s6, $0xE  }
0x5b: {  	s6 =	smov.u32 s22;
	s0 =	sor.u32 s5, s0;
	s5 =	sshra.s32 s23, $0x1F  }
0x5c: {  	s1 =	sand.u32 $0x4000, s1;
	s2 =	sor.u32 s3, s0;
	s3 =	smov.u32 s23  }
0x5d: {  	s5 =	sand.u32 s5, s23;
	[dreg:$0x13] =	wrdreg s1;
	s0 =	smulhi.u32 $0xAAAAAAAB, s0  }
0x5e: {  	s4 =	smulhi.u32 $0xAAAAAAAB, s2;
	s3 =	simm.s32 @!p0 $0xFFFFFFFE;
	p0 =	sgt.s32 s22, $0xD  }
0x5f: {  	s1 =	sshra.s32 s17, $0x1F;
	s3 =	ssub.s32 s3, s5;
	s6 =	simm.s32 @!p0 $0xD  }
0x60: {  	s5 =	sand.u32 s7, s22;
	s4 =	sshrl.u32 s4, $0x8;
	s7 =	sadd.s32 $0x2, s3  }
0x61: {  	s5 =	ssub.s32 s6, s5;
	s3 =	ssub.s32 $0xE, s3;
	p0 =	sgt.s32 s7, $0xF  }
0x62: {  	s6 =	sadd.s32 $0xFFFFFFF3, s5;
	s5 =	ssub.s32 $0xE, s5;
	s4 =	smul.u32 $0x180, s4  }
0x63: {  	s7 =	sshra.s32 s21, $0x1F;
	s3 =	simm.s32 @p0 $0x0;
	p0 =	sgt.s32 s6, $0x0  }
0x64: {  	s6 =	sand.u32 s7, s21;
	s7 =	smov.u32 s20;
	s5 =	simm.s32 @p0 $0x0  }
0x65: {  	p0 =	sgt.s32 s21, $0x1;
	s3 =	smul.u32 s3, s5;
	s5 =	smov.u32 s21  }
0x66: {  	s6 =	sxor.u32 $0xFFFFFFFF, s6;
	s5 =	simm.s32 @!p0 $0x1;
	p0 =	sgt.s32 s20, $0x7  }
0x67: {  	s5 =	sadd.s32 s6, s5;
	s7 =	simm.s32 @!p0 $0x7;
	s6 =	sshra.s32 s20, $0x1F  }
0x68: {  	p0 =	sgt.s32 s5, $0x0;
	s5 =	ssub.s32 $0x1, s5;
	s6 =	sand.u32 s6, s20  }
0x69: {  	s0 =	sshrl.u32 s0, $0x8;
	s5 =	simm.s32 @p0 $0x0;
	s6 =	ssub.s32 s7, s6  }
0x6a: {  	s2 =	ssub.s32 s2, s4;
	s3 =	smul.u32 s5, s3;
	s5 =	sadd.s32 $0xFFFFFFF9, s6  }
0x6b: {  	s7 =	ssub.s32 $0x0, s19;
	s4 =	ssub.s32 $0x8, s6;
	p0 =	sgt.s32 s5, $0x0  }
0x6c: {  	s0 =	sand.u32 $0x7, s0;
	s5 =	smin.u32 s19, s7;
	s4 =	simm.s32 @p0 $0x0  }
0x6d: {  	p0 =	sgt.s32 s5, $0x7;
	s3 =	smul.u32 s4, s3;
	s4 =	ssub.s32 $0x8, s5  }
0x6e: {  	s5 =	smov.u32 s17;
	s4 =	simm.s32 @p0 $0x0;
	p0 =	sgt.s32 s17, $0x100  }
0x6f: {  	s0 =	smul.u32 $0x30, s0;
	s7 =	sand.u32 s1, s17;
	s5 =	simm.s32 @!p0 $0x100  }
0x70: {  	s3 =	smul.u32 s4, s3;
	s4 =	ssub.s32 s5, s7  }
0x71: {  	s5 =	smul.u32 $0x15000, s23;
	s1 =	sadd.s32 $0xFFFFFF00, s4  }
0x72: {  	s7 =	smul.u32 $0x1800, s22;
	p0 =	sgt.s32 s1, $0x7F;
	s1 =	smov.u32 s11  }
0x73: {  	s11 =	smov.u32 s12;
	s12 =	smov.u32 s13;
	s13 =	smov.u32 s10  }
0x74: {  	s10 =	smov.u32 s9;
	s9 =	smov.u32 s8;
	s8 =	rddreg [dreg:$0x0]  }
0x75: {  	s6 =	smul.u32 $0xC00, s21;
	s4 =	ssub.s32 $0x180, s4;
	s5 =	sadd.s32 s8, s5  }
0x76: {  	s8 =	smul.u32 $0x180, s20;
	s4 =	simm.s32 @p0 $0x0;
	s5 =	sadd.s32 s7, s5  }
0x77: {  	s3 =	smul.u32 s4, s3;
	s7 =	sand.u32 $0x7, s2;
	s5 =	sadd.s32 s6, s5  }
0x78: {  	s2 =	sshrl.u32 s2, $0x3;
	s6 =	sadd.s32 s8, s5;
	s8 =	smov.u32 s9  }
0x79: {  	s9 =	smov.u32 s10;
	s10 =	smov.u32 s13;
	s13 =	smov.u32 s12  }
0x7a: {  	s12 =	smov.u32 s11;
	s11 =	smov.u32 s1;
	s1 =	sshll.u32 s7, $0x12  }
0x7b: {  	s3 =	sand.u32 $0x3FFFFFFF, s3;
	s7 =	rddreg [dreg:$0x13];
	s0 =	sadd.s32 s0, s6  }
0x7c: {  	s5 =	sor.u32 $0x400, s1;
	s6 =	simm.s32 $0xA8000;
	s0 =	sadd.s32 s2, s0  }
0x7d: {  	[tilespmem:s7], [sflag:$0x1] =	stream.strided.gather [hbm4b:s0+s5], s3, s6, s5, $0x38;
	[tilespmem:$0x10000] =	vst v63  }
.LBB1_3:
0x7e: {  	s0 =	sadd.s32 $0xFFFFFFFF, s24  }
0x7f: {  	p0 =	sge.u32 s0, s11  }
.Ltmp3:
0x80: {  	_ = 	snop;
	(pc) =	sbr.rel @p0 .LBB1_19-.Ltmp3, $1  }
0x81: {  	_ =	sdelay $0x3  }
0x82: {  	[dreg:$0x11] =	wrdreg s8  }
0x83: {  	[dreg:$0x10] =	wrdreg s31;
	p0 =	sgt.s32 s26, $0xFFFFFFFE  }
0x84: {  	s0 =	smov.u32 s26;
	s1 =	sshra.s32 s26, $0x1F;
	s2 =	smov.u32 s25  }
0x85: {  	s3 =	sshra.s32 s25, $0x1F;
	s8 =	sshra.s32 s18, $0x1F;
	s4 =	sshra.s32 s16, $0x1F  }
0x86: {  	s11 =	ssub.s32 $0x0, s15;
	p1 =	sgt.s32 s14, $0x100;
	s0 =	simm.s32 @!p0 $0xFFFFFFFE  }
0x87: {  	s1 =	sand.u32 s1, s26;
	p0 =	sgt.s32 s25, $0xD;
	s6 =	sand.u32 s3, s25  }
0x88: {  	s9 =	sand.u32 s8, s18;
	s0 =	ssub.s32 s0, s1;
	s2 =	simm.s32 @!p0 $0xD  }
0x89: {  	s3 =	smov.u32 s16;
	s7 =	sadd.s32 $0x2, s0;
	s1 =	ssub.s32 s2, s6  }
0x8a: {  	s0 =	ssub.s32 $0xE, s0;
	p0 =	sgt.s32 s7, $0xF;
	s2 =	sadd.s32 $0xFFFFFFF3, s1  }
0x8b: {  	s1 =	ssub.s32 $0xE, s1;
	s0 =	simm.s32 @p0 $0x0;
	p0 =	sgt.s32 s2, $0x0  }
0x8c: {  	s2 =	smov.u32 s18;
	s1 =	simm.s32 @p0 $0x0;
	p0 =	sgt.s32 s18, $0x1  }
0x8d: {  	s0 =	smul.u32 s0, s1;
	s2 =	simm.s32 @!p0 $0x1;
	s1 =	sxor.u32 $0xFFFFFFFF, s9  }
0x8e: {  	s10 =	sand.u32 s4, s16;
	p0 =	sgt.s32 s16, $0x7;
	s1 =	sadd.s32 s1, s2  }
0x8f: {  	s3 =	simm.s32 @!p0 $0x7;
	p0 =	sgt.s32 s1, $0x0;
	s1 =	ssub.s32 $0x1, s1  }
0x90: {  	s13 =	sshra.s32 s14, $0x1F;
	s2 =	ssub.s32 s3, s10;
	s1 =	simm.s32 @p0 $0x0  }
0x91: {  	s12 =	smin.u32 s15, s11;
	s3 =	sadd.s32 $0xFFFFFFF9, s2;
	s0 =	smul.u32 s1, s0  }
0x92: {  	p0 =	sgt.s32 s3, $0x0;
	s1 =	ssub.s32 $0x8, s2;
	s2 =	smov.u32 s14  }
0x93: {  	s3 =	sand.u32 s13, s14;
	s1 =	simm.s32 @p0 $0x0;
	p0 =	sgt.s32 s12, $0x7  }
0x94: {  	s2 =	simm.s32 @!p1 $0x100;
	s0 =	smul.u32 s1, s0;
	s1 =	ssub.s32 $0x8, s12  }
0x95: {  	[dreg:$0xf] =	wrdreg s27;
	s2 =	ssub.s32 s2, s3;
	s1 =	simm.s32 @p0 $0x0  }
0x96: {  	[dreg:$0x9] =	wrdreg s14;
	s14 =	sadd.s32 $0xFFFFFF00, s2;
	s0 =	smul.u32 s1, s0  }
0x97: {  	p0 =	sgt.s32 s14, $0x7F;
	s1 =	ssub.s32 $0x180, s2;
	s2 =	sadd.s32 $0x10, s26  }
0x98: {  	s3 =	sadd.s32 $0x1, s25;
	s1 =	simm.s32 @p0 $0x0;
	p0 =	slt.s32 s2, $0xE  }
0x99: {  	s1 =	smul.u32 s1, s0;
	s2 =	simm.s32 @!p0 $0xE;
	p0 =	slt.s32 s3, $0xE  }
0x9a: {  	s0 =	ssub.s32 s2, s26;
	s3 =	simm.s32 @!p0 $0xE;
	s2 =	sadd.s32 $0x1, s18  }
0x9b: {  	s3 =	ssub.s32 s3, s25;
	p1 =	slt.s32 s2, $0x2;
	p0 =	slt.s32 s0, $0x1  }
0x9c: {  	s4 =	sadd.s32 $0x1, s16;
	s2 =	simm.s32 @!p1 $0x2;
	p1 =	slt.s32 @!p0 s3, $0x1  }
0x9d: {  	p2 =	slt.s32 s4, $0x8;
	s10 =	ssub.s32 s2, s18;
	p1 =	por p0, p1  }
0x9e: {  	s4 =	simm.s32 @!p2 $0x8;
	s2 =	sadd.s32 $0x8, s15;
	p2 =	slt.s32 @!p1 s10, $0x1  }
0x9f: {  	s11 =	ssub.s32 s4, s16;
	p1 =	por p1, p2;
	p2 =	slt.s32 s2, $0x8  }
0xa0: {  	[dreg:$0xe] =	wrdreg s26;
	s2 =	simm.s32 @!p2 $0x8;
	p2 =	slt.s32 @!p1 s11, $0x1  }
0xa1: {  	[dreg:$0xd] =	wrdreg s25;
	s5 =	ssub.s32 s2, s15;
	p1 =	por p1, p2  }
0xa2: {  	[dreg:$0xc] =	wrdreg s18;
	p2 =	slt.s32 @!p1 s5, $0x1  }
0xa3: {  	[dreg:$0xb] =	wrdreg s16;
	p1 =	por p1, p2  }
.Ltmp4:
0xa4: {  	[dreg:$0xa] =	wrdreg s15;
	s6 =	sand.u32 $0x3FFFFFFF, s1;
	(pc) =	sbr.rel @p1 .LBB1_18-.Ltmp4, $4  }
0xa5: {  	s27 =	simm.s32 $0x1;
	[dreg:$0x12] =	wrdreg s6  }
0xa6: {  	_ =	swait.ge [sflag:s27], s6  }
0xa7: {  	s31 =	sshll.u32 s24, $0xE;
	s1 =	ssub.s32 $0x0, s6;
	[sflag:s27] =	ssyncset.done $0x0  }
0xa8: {  	[sflag:s27] =	ssyncadd.s32 s1;
	s2 =	sand.u32 $0x4000, s31  }
0xa9: {  	s4 =	rddreg [dreg:$0x9]  }
0xaa: {  	s1 =	sadd.s32 $0x80, s4  }
0xab: {  	p1 =	slt.s32 s1, $0x180  }
.Ltmp5:
0xac: {  	s1 =	simm.s32 @!p1 $0x180;
	(pc) =	sbr.rel .LBB1_6-.Ltmp5, $4  }
0xad: {  	s1 =	ssub.s32 s1, s4  }
0xae: {  	s7 =	sadd.s32 $0xF, s1  }
0xaf: {  	s4 =	simm.s32 $0x0;
	s6 =	sand.u32 $0xFFFFFFF0, s7;
	s26 =	sand.u32 @!p0 $0xFFFFFF00, s7  }
0xb0: {  	s1 =	sor.u32 @!p0 $0x8000, s2;
	p0 =	slt.s32 s7, $0x100;
	p1 =	sge.s32 s26, s6  }
.LBB1_17:
0xb1: {  	s4 =	sadd.s32 $0x1, s4  }
0xb2: {  	p2 =	sne.s32 s4, s0  }
.Ltmp6:
0xb3: {  	_ = 	snop;
	(pc) =	sbr.rel @!p2 .LBB1_18-.Ltmp6, $1  }
0xb4: {  	_ =	sdelay $0x3  }
.LBB1_6:
.Ltmp7:
0xb5: {  	(pc) =	sbr.rel .LBB1_7-.Ltmp7, $4  }
0xb6: {  	_ = 	snop  }
0xb7: {  	s7 =	sshll.u32 s4, $0xC  }
0xb8: {  	s7 =	sshra.s32 s7, $0x2  }
0xb9: {  	s8 =	sadd.s32 s7, s1;
	s7 =	simm.s32 $0x0  }
.LBB1_16:
0xba: {  	s7 =	sadd.s32 $0x1, s7  }
0xbb: {  	p2 =	sne.s32 s7, s3  }
.Ltmp8:
0xbc: {  	_ = 	snop;
	(pc) =	sbr.rel @!p2 .LBB1_17-.Ltmp8, $1  }
0xbd: {  	_ =	sdelay $0x3  }
.LBB1_7:
.Ltmp9:
0xbe: {  	(pc) =	sbr.rel .LBB1_8-.Ltmp9, $2  }
0xbf: {  	_ =	sdelay $0x2  }
0xc0: {  	s31 =	sadd.s32 s4, s7;
	s27 =	simm.s32 $0x0  }
.LBB1_15:
0xc1: {  	s27 =	sadd.s32 $0x1, s27  }
0xc2: {  	p2 =	sne.s32 s27, s10  }
.Ltmp10:
0xc3: {  	_ = 	snop;
	(pc) =	sbr.rel @!p2 .LBB1_16-.Ltmp10, $1  }
0xc4: {  	_ =	sdelay $0x3  }
.LBB1_8:
.Ltmp11:
0xc5: {  	(pc) =	sbr.rel .LBB1_9-.Ltmp11, $4  }
0xc6: {  	_ = 	snop  }
0xc7: {  	s9 =	sshll.u32 s27, $0x7  }
0xc8: {  	s9 =	sand.u32 $0x80, s9  }
0xc9: {  	s13 =	sadd.s32 s31, s27;
	s14 =	simm.s32 $0x0;
	s25 =	sadd.s32 s9, s8  }
.LBB1_14:
0xca: {  	s14 =	sadd.s32 $0x1, s14  }
0xcb: {  	p2 =	sne.s32 s14, s11  }
.Ltmp12:
0xcc: {  	_ = 	snop;
	(pc) =	sbr.rel @!p2 .LBB1_15-.Ltmp12, $1  }
0xcd: {  	_ =	sdelay $0x3  }
.LBB1_9:
.Ltmp13:
0xce: {  	s9 =	sadd.s32 s13, s14;
	(pc) =	sbr.rel .LBB1_10-.Ltmp13, $4  }
0xcf: {  	s12 =	sshll.u32 s14, $0x10;
	s9 =	sshll.u32 s9, $0xC  }
0xd0: {  	s12 =	sshra.s32 s12, $0x2;
	s9 =	sshra.s32 s9, $0x2  }
0xd1: {  	s18 =	sadd.s32 s12, s25;
	s16 =	sadd.s32 s9, s2  }
0xd2: {  	s12 =	simm.s32 $0x0;
	v1 =	vmov s18;
	v0 =	vmov s16  }
.LBB1_13:
0xd3: {  	s12 =	sadd.s32 $0x1, s12  }
0xd4: {  	p2 =	sne.s32 s12, s5  }
.Ltmp14:
0xd5: {  	_ = 	snop;
	(pc) =	sbr.rel @!p2 .LBB1_14-.Ltmp14, $1  }
0xd6: {  	_ =	sdelay $0x3  }
.LBB1_10:
0xd7: {  	_ =	sdelay $0x1  }
0xd8: {  	s9 =	sshll.u32 @!p0 s12, $0x7  }
0xd9: {  	s9 =	sand.u32 @!p0 $0x380, s9  }
0xda: {  	v2 =	vld.idx.msk @!p0 [tilespmem:v0+s9+$0x0 ss:$0x1], $0xffff  }
0xdb: {  	v3 =	vld.idx.msk @!p0 [tilespmem:v0+s9+$0x10 ss:$0x1], $0xffff  }
0xdc: {  	s15 =	sadd.s32 @!p0 s7, s12;
	v4 =	vld.idx.msk @!p0 [tilespmem:v0+s9+$0x20 ss:$0x1], $0xffff  }
0xdd: {  	s15 =	sshll.u32 @!p0 s15, $0x9;
	v5 =	vld.idx.msk @!p0 [tilespmem:v0+s9+$0x30 ss:$0x1], $0xffff  }
0xde: {  	v6 =	vld.idx.msk @!p0 [tilespmem:v0+s9+$0x40 ss:$0x1], $0xffff;
	s15 =	sshra.s32 @!p0 s15, $0x2  }
0xdf: {  	v7 =	vld.idx.msk @!p0 [tilespmem:v0+s9+$0x50 ss:$0x1], $0xffff;
	[tilespmem:v1+s15+$0x0 ss:$0x1] =	vst.idx.msk @!p0 $0xffff, v2  }
0xe0: {  	v2 =	vld.idx.msk @!p0 [tilespmem:v0+s9+$0x60 ss:$0x1], $0xffff;
	[tilespmem:v1+s15+$0x10 ss:$0x1] =	vst.idx.msk @!p0 $0xffff, v3  }
0xe1: {  	v3 =	vld.idx.msk @!p0 [tilespmem:v0+s9+$0x70 ss:$0x1], $0xffff;
	[tilespmem:v1+s15+$0x20 ss:$0x1] =	vst.idx.msk @!p0 $0xffff, v4  }
.Ltmp15:
0xe2: {  	[tilespmem:v1+s15+$0x30 ss:$0x1] =	vst.idx.msk @!p0 $0xffff, v5;
	(pc) =	sbr.rel @p1 .LBB1_13-.Ltmp15, $4  }
0xe3: {  	[tilespmem:v1+s15+$0x40 ss:$0x1] =	vst.idx.msk @!p0 $0xffff, v6  }
0xe4: {  	[tilespmem:v1+s15+$0x50 ss:$0x1] =	vst.idx.msk @!p0 $0xffff, v7  }
0xe5: {  	[tilespmem:v1+s15+$0x60 ss:$0x1] =	vst.idx.msk @!p0 $0xffff, v2  }
0xe6: {  	[tilespmem:v1+s15+$0x70 ss:$0x1] =	vst.idx.msk @!p0 $0xffff, v3  }
0xe7: {  	s15 =	sshll.u32 s12, $0x7  }
0xe8: {  	s15 =	sand.u32 $0x380, s15  }
0xe9: {  	s9 =	sadd.s32 s7, s12;
	s15 =	sadd.s32 s15, s16  }
0xea: {  	s9 =	sshll.u32 s9, $0x9;
	v2 =	vmov s15  }
0xeb: {  	s9 =	sshra.s32 s9, $0x2  }
0xec: {  	s9 =	sadd.s32 s9, s18  }
0xed: {  	v3 =	vmov s9;
	s9 =	smov.u32 s26  }
.LBB1_12:
0xee: {  	s15 =	sand.u32 $0x70, s9;
	s9 =	sadd.s32 $0x10, s9  }
0xef: {  	v4 =	vld.idx.msk [tilespmem:v2+s15+$0x0 ss:$0x1], $0xffff;
	p2 =	slt.s32 s9, s6  }
.Ltmp16:
0xf0: {  	_ = 	snop;
	(pc) =	sbr.rel @p2 .LBB1_12-.Ltmp16, $2  }
0xf1: {  	_ =	sdelay $0x2  }
0xf2: {  	[tilespmem:v3+s15+$0x0 ss:$0x1] =	vst.idx.msk $0xffff, v4  }
.Ltmp17:
0xf3: {  	_ = 	snop;
	(pc) =	sbr.rel .LBB1_13-.Ltmp17, $1  }
0xf4: {  	_ =	sdelay $0x3  }
.LBB1_20:
0xf5: {  	_ =	sfence.sel $0x180000  }
0xf6: {  	s0 =	simm.s32 $0x1;
	[bflag:$0x0] =	sbarrier.arrive $0xFFFF  }
0xf7: {  	s30 =	simm.s32 $0x2;
	[sflag:s0] =	ssyncpa.u1 $0x1  }
0xf8: {  	[sflag:s30] =	ssyncpa.u1 $0x1  }
0xf9: {  	_ =	strace $0x90000047  }
0xfa: {  	s31 =	stileid.u32;
	[bflag:$0x2] =	sbarrier.arrive $0xFFFF  }
0xfb: {  	p0 =	sne.s32 s31, $0x0;
	s0 =	rddreg [dreg:$0x2]  }
0xfc: {  	s0 =	sadd.s32 @!p0 $0x100000, s0  }
0xfd: {  	[sflag:s0] =	ssyncadd.tile.s32 @!p0 $0x1;
	_ =	shalt  }
.Lfunc_end1:
_tile_overlayer_lowered:
.L_overlay_start_2:
0xfe: {  	(tag) =	ssettag $0x2  }
0xff: {  	s0 =	rddreg [dreg:$0x0];
	s2 =	stileid.u32  }
0x100: {  	s1 =	rddreg [dreg:$0x1];
	p0 =	sne.s32 s2, $0x0  }
0x101: {  	s3 =	rddreg [dreg:$0x2];
	[bflag:$0x3] =	sbarrier.arrive $0xFFFF;
	s2 =	simm.s32 @!p0 $0x1C01  }
0x102: {  	[timem:s3], [sflag:s2] =	dma.local @!p0 [hbm:s0], s1  }
0x103: {  	s0 =	simm.s32 @!p0 $0x1  }
0x104: {  	_ =	swait.ge @!p0 [sflag:s0], s1  }
0x105: {  	s1 =	ssub.s32 @!p0 $0x0, s1;
	[sflag:s0] =	ssyncset.done @!p0 $0x0  }
0x106: {  	[sflag:s0] =	ssyncadd.s32 @!p0 s1  }
0x107: {  	[bflag:$0x3] =	sbarrier.arrive $0xFFFF  }
0x108: {  	_ =	shalt  }

</sc_bundles>
